<compile_context>
chip_gen: v7x
topology: tpu7x:2x2x1
jax: 0.10.2.dev20260603
libtpu: 0.0.44.dev20260713+nightly
codegen_flags: <defaults>
</compile_context>

<pallas_src>
import jax
import jax.numpy as jnp
from jax import lax
from jax.experimental import pallas as pl
from jax.experimental.pallas import tpu as pltpu
from jax.experimental.pallas import tpu_sc as plsc

D = 128
L = 16
_NC, _NS = 2, 16
_NW = _NC * _NS

_ROW_BLOCK = 1000



def _linear_body(x_ref, w_ref, b_ref, o_ref):
    y = jnp.dot(x_ref[...], w_ref[...], preferred_element_type=jnp.float32)
    o_ref[...] = y + b_ref[...]


def _tc_linear(x, w, b):
    n, d = x.shape
    return pl.pallas_call(
        _linear_body,
        grid=(n // _ROW_BLOCK,),
        in_specs=[
            pl.BlockSpec((_ROW_BLOCK, d), lambda i: (i, 0)),
            pl.BlockSpec((d, D), lambda i: (0, 0)),
            pl.BlockSpec((1, D), lambda i: (0, 0)),
        ],
        out_specs=pl.BlockSpec((_ROW_BLOCK, D), lambda i: (i, 0)),
        out_shape=jax.ShapeDtypeStruct((n, D), jnp.float32),
    )(x, w, b.reshape(1, D))


def _fuse_body(s_ref, c_ref, embE_ref, wf_ref, bf_ref, we_ref, be_ref,
               eo_ref, y_ref):
    s = s_ref[0] + s_ref[1]
    cnt = jnp.maximum(c_ref[0] + c_ref[1], 1.0)
    tem = jnp.maximum(s / cnt, 0.0)
    eo = jnp.dot(embE_ref[...], wf_ref[:D, :], preferred_element_type=jnp.float32)
    eo = eo + jnp.dot(tem, wf_ref[D:, :], preferred_element_type=jnp.float32)
    eo = eo + bf_ref[...]
    eo_ref[...] = eo
    y_ref[...] = jnp.dot(eo, we_ref[...], preferred_element_type=jnp.float32) + be_ref[...]


def _tc_fuse(s, cnt, emb_E, w_fuse, b_fuse, w_e2v, b_e2v):
    n = emb_E.shape[0]
    return pl.pallas_call(
        _fuse_body,
        grid=(n // _ROW_BLOCK,),
        in_specs=[
            pl.BlockSpec((_NC, _ROW_BLOCK, D), lambda i: (0, i, 0)),
            pl.BlockSpec((_NC, _ROW_BLOCK, 1), lambda i: (0, i, 0)),
            pl.BlockSpec((_ROW_BLOCK, D), lambda i: (i, 0)),
            pl.BlockSpec((2 * D, D), lambda i: (0, 0)),
            pl.BlockSpec((1, D), lambda i: (0, 0)),
            pl.BlockSpec((D, D), lambda i: (0, 0)),
            pl.BlockSpec((1, D), lambda i: (0, 0)),
        ],
        out_specs=[
            pl.BlockSpec((_ROW_BLOCK, D), lambda i: (i, 0)),
            pl.BlockSpec((_ROW_BLOCK, D), lambda i: (i, 0)),
        ],
        out_shape=[
            jax.ShapeDtypeStruct((n, D), jnp.float32),
            jax.ShapeDtypeStruct((n, D), jnp.float32),
        ],
    )(s, cnt, emb_E, w_fuse, b_fuse.reshape(1, D), w_e2v, b_e2v.reshape(1, D))


def _finish_body(t_ref, c_ref, o_ref):
    t = t_ref[0] + t_ref[1]
    cnt = jnp.maximum(c_ref[0] + c_ref[1], 1.0)
    o_ref[...] = jnp.maximum(t / cnt, 0.0)


def _tc_finish(t, cnt, n):
    return pl.pallas_call(
        _finish_body,
        grid=(n // _ROW_BLOCK,),
        in_specs=[
            pl.BlockSpec((_NC, _ROW_BLOCK, D), lambda i: (0, i, 0)),
            pl.BlockSpec((_NC, _ROW_BLOCK, 1), lambda i: (0, i, 0)),
        ],
        out_specs=pl.BlockSpec((_ROW_BLOCK, D), lambda i: (i, 0)),
        out_shape=jax.ShapeDtypeStruct((n, D), jnp.float32),
    )(t, cnt)



def _sc_segment_sum(x, src_idx, dst_idx, num_seg, zeros_pad, chunk=80):
    e = src_idx.shape[0]
    epw = e // _NW
    nchunk = epw // chunk
    seg_pad = ((num_seg + 8 * _NS - 1) // (8 * _NS)) * (8 * _NS)
    rpw = seg_pad // _NS
    crows = (num_seg + D - 1) // D
    crows = ((crows + 7) // 8) * 8
    mesh = plsc.VectorSubcoreMesh(core_axis_name="c", subcore_axis_name="s")

    @pl.kernel(
        out_type=[
            jax.ShapeDtypeStruct((_NC, seg_pad, D), jnp.float32),
            jax.ShapeDtypeStruct((_NC, crows, D), jnp.float32),
        ],
        mesh=mesh,
        scratch_types=[
            pltpu.VMEM((chunk,), jnp.int32),
            pltpu.VMEM((chunk,), jnp.int32),
            pltpu.VMEM((chunk, D), jnp.float32),
            pltpu.VMEM((crows, D), jnp.float32),
            pltpu.VMEM((crows,), jnp.int32),
            pltpu.VMEM_SHARED((seg_pad, D), jnp.float32),
            pltpu.VMEM_SHARED((crows, D), jnp.float32),
            pltpu.SemaphoreType.DMA,
        ],
        compiler_params=pltpu.CompilerParams(needs_layout_passes=False),
    )
    def k(x_hbm, src_hbm, dst_hbm, z_hbm, sum_hbm, cnt_hbm,
          src_v, dst_v, rows_v, hist_v, ident_v, acc_sh, cnt_sh, sem):
        cid = lax.axis_index("c")
        sid = lax.axis_index("s")
        wid = sid * _NC + cid
        pltpu.sync_copy(z_hbm.at[pl.ds(sid * rpw, rpw)],
                        acc_sh.at[pl.ds(sid * rpw, rpw)])
        pltpu.sync_copy(z_hbm.at[pl.ds(0, crows)], hist_v)

        @pl.when(sid == 0)
        def _():
            pltpu.sync_copy(z_hbm.at[pl.ds(0, crows)], cnt_sh)

        @pl.loop(0, crows // L)
        def _(j):
            ident_v[pl.ds(j * L, L)] = lax.iota(jnp.int32, L) + j * L

        plsc.subcore_barrier()

        base = wid * epw
        ones = jnp.ones((L,), jnp.float32)

        @pl.loop(0, nchunk)
        def _(i):
            off = base + i * chunk
            pltpu.sync_copy(src_hbm.at[pl.ds(off, chunk)], src_v)
            pltpu.sync_copy(dst_hbm.at[pl.ds(off, chunk)], dst_v)
            pltpu.async_copy(x_hbm.at[src_v], rows_v, sem).wait()
            pltpu.sync_copy(rows_v, acc_sh.at[dst_v], add=True)

            @pl.loop(0, chunk // L)
            def _(j):
                d16 = dst_v[pl.ds(j * L, L)]
                row = lax.shift_right_logical(d16, 7)
                lane = lax.bitwise_and(d16, 127)
                plsc.addupdate_scatter(hist_v, [row, lane], ones)

        pltpu.sync_copy(hist_v, cnt_sh.at[ident_v], add=True)
        plsc.subcore_barrier()
        pltpu.sync_copy(acc_sh.at[pl.ds(sid * rpw, rpw)],
                        sum_hbm.at[cid, pl.ds(sid * rpw, rpw)])

        @pl.when(sid == 0)
        def _():
            pltpu.sync_copy(cnt_sh, cnt_hbm.at[cid])

    return k(x, src_idx, dst_idx, zeros_pad)



def kernel(emb_V, emb_E, edge_index, W_v2e, b_v2e, W_e2v, b_e2v, W_fuse,
           b_fuse):
    n_v = emb_V.shape[0]
    n_e = emb_E.shape[0]
    src = edge_index[0].astype(jnp.int32)
    dst = edge_index[1].astype(jnp.int32)

    seg_pad_e = ((n_e + 8 * _NS - 1) // (8 * _NS)) * (8 * _NS)
    seg_pad_v = ((n_v + 8 * _NS - 1) // (8 * _NS)) * (8 * _NS)
    zeros_e = jnp.zeros((seg_pad_e, D), jnp.float32)
    zeros_v = jnp.zeros((seg_pad_v, D), jnp.float32)

    x = _tc_linear(emb_V, W_v2e, b_v2e)
    s, cnt_e = _sc_segment_sum(x, src, dst, n_e, zeros_e)
    cnt_e = cnt_e.reshape(_NC, -1, 1)
    emb_E_out, y = _tc_fuse(s, cnt_e, emb_E, W_fuse, b_fuse, W_e2v, b_e2v)
    t, cnt_v = _sc_segment_sum(y, dst, src, n_v, zeros_v)
    cnt_v = cnt_v.reshape(_NC, -1, 1)
    emb_V_out = _tc_finish(t, cnt_v, n_v)
    return (emb_V_out, emb_E_out)

# --- scband reference (transcript-rebuilt; emitter-appended) ---
"""Pipeline reference for scband-encoder-layer-30425548324932 (READ-ONLY COPY).

The authoritative reference and input builder live on the scoring server;
editing this copy changes nothing except your own understanding.
"""

import jax, jax.numpy as jnp
import numpy as np

N_V, N_E, E, D = 10000, 10000, 320000, 128

def _uniform(key, shape, bound):
    return jax.random.uniform(key, shape, jnp.float32, -bound, bound)

def setup_inputs(seed: int = 0) -> dict:
    key = jax.random.key(seed)
    ks = jax.random.split(key, 9)
    emb_V = jax.random.normal(ks[0], (N_V, D), jnp.float32)
    emb_E = jax.random.normal(ks[1], (N_E, D), jnp.float32)
    edge_index = jax.random.randint(ks[2], (2, E), 0, N_V, dtype=jnp.int64) if jax.config.jax_enable_x64 else jax.random.randint(ks[2], (2, E), 0, N_V, dtype=jnp.int32)
    s = 1.0 / np.sqrt(D)
    s2 = 1.0 / np.sqrt(2 * D)
    return {
        'emb_V': emb_V,
        'emb_E': emb_E,
        'edge_index': edge_index,
        'W_v2e': _uniform(ks[3], (D, D), s),
        'b_v2e': _uniform(ks[4], (D,), s),
        'W_e2v': _uniform(ks[5], (D, D), s),
        'b_e2v': _uniform(ks[6], (D,), s),
        'W_fuse': _uniform(ks[7], (2 * D, D), s2),
        'b_fuse': _uniform(ks[8], (D,), s2),
    }

def _scatter_mean(src, idx, num_segments):
    summed = jax.ops.segment_sum(src, idx, num_segments=num_segments)
    cnt = jax.ops.segment_sum(jnp.ones((src.shape[0],), src.dtype), idx, num_segments=num_segments)
    return summed / jnp.clip(cnt, 1.0)[:, None]

def reference(emb_V, emb_E, edge_index, W_v2e, b_v2e, W_e2v, b_e2v, W_fuse, b_fuse):
    # V2E linear then gather nodes -> scatter-mean into hyperedges
    emb_E_tem = emb_V @ W_v2e + b_v2e
    emb_E_tem = jax.nn.relu(_scatter_mean(jnp.take(emb_E_tem, edge_index[0], axis=0), edge_index[1], emb_E.shape[0]))
    emb_E_out = jnp.concatenate([emb_E, emb_E_tem], axis=-1)
    emb_E_out = emb_E_out @ W_fuse + b_fuse  # dropout is identity in eval mode
    # E2V linear then gather hyperedges (reversed edges) -> scatter-mean into nodes
    emb_V_tem = emb_E_out @ W_e2v + b_e2v
    emb_V_out = jax.nn.relu(_scatter_mean(jnp.take(emb_V_tem, edge_index[1], axis=0), edge_index[0], emb_V.shape[0]))
    return (emb_V_out, emb_E_out)

if __name__ == "__main__":
    import jax
    _d = setup_inputs()
    print(jax.jit(kernel)(*tuple(_d.values())))

</pallas_src>

<mosaic_0001>
#map = affine_map<(d0, d1) -> (0, 0)>
#map1 = affine_map<(d0, d1) -> (0)>
#map2 = affine_map<(d0, d1) -> (0, 0, 0)>
module attributes {stable_mosaic.version = 14 : i64} {
  func.func @k(%arg0: i32, %arg1: i32, %arg2: memref<10000x128xf32, #tpu.memory_space<hbm>>, %arg3: memref<320000xi32, #tpu.memory_space<hbm>>, %arg4: memref<320000xi32, #tpu.memory_space<hbm>>, %arg5: memref<10112x128xf32, #tpu.memory_space<hbm>>, %arg6: memref<2x10112x128xf32, #tpu.memory_space<hbm>>, %arg7: memref<2x80x128xf32, #tpu.memory_space<hbm>>, %arg8: memref<80xi32, #tpu.memory_space<vmem>>, %arg9: memref<80xi32, #tpu.memory_space<vmem>>, %arg10: memref<80x128xf32, #tpu.memory_space<vmem>>, %arg11: memref<80x128xf32, #tpu.memory_space<vmem>>, %arg12: memref<80xi32, #tpu.memory_space<vmem>>, %arg13: memref<10112x128xf32, #tpu.memory_space<vmem_shared>>, %arg14: memref<80x128xf32, #tpu.memory_space<vmem_shared>>, %arg15: memref<!tpu.dma_semaphore, #tpu.memory_space<semaphore_mem>>) attributes {dimension_semantics = [#tpu.dimension_semantics<core_parallel>, #tpu.dimension_semantics<subcore_parallel>], iteration_bounds = array<i64: 2, 16>, scalar_prefetch = 0 : i64, scratch_operands = 8 : i64, tpu.core_type = #tpu.core_type<sc_vector_subcore>, window_params = [{transform_indices = #map}, {transform_indices = #map1}, {transform_indices = #map1}, {transform_indices = #map}, {transform_indices = #map2}, {transform_indices = #map2}]} {
    %mul3A = arith.constant 2 : i32
    %mul3A_0 = arith.muli %arg1, %mul3A : i32
    %add3A = arith.addi %mul3A_0, %arg0 : i32
    %mul3A_1 = arith.constant 632 : i32
    %mul3A_2 = arith.muli %arg1, %mul3A_1 : i32
    %mul3A_3 = arith.constant 632 : i32
    %mul3A_4 = arith.muli %arg1, %mul3A_3 : i32
    "tpu.region"() ({
      %run_scoped3A = tpu.sem_alloc : memref<!tpu.dma_semaphore, #tpu.memory_space<semaphore_mem>>
      %dma_start3A = arith.constant 0 : i32
      %dma_start3A_29 = tpu.memref_slice %arg13[%mul3A_4, %dma_start3A] : memref<10112x128xf32, #tpu.memory_space<vmem_shared>> -> memref<632x128xf32, #tpu.memory_space<vmem_shared>>
      %dma_start3A_30 = arith.constant 0 : i32
      %dma_start3A_31 = tpu.memref_slice %arg5[%mul3A_2, %dma_start3A_30] : memref<10112x128xf32, #tpu.memory_space<hbm>> -> memref<632x128xf32, #tpu.memory_space<hbm>>
      tpu.enqueue_dma source(%dma_start3A_31 : memref<632x128xf32, #tpu.memory_space<hbm>>) target(%dma_start3A_29 : memref<632x128xf32, #tpu.memory_space<vmem_shared>>) target_semaphore(%run_scoped3A : memref<!tpu.dma_semaphore, #tpu.memory_space<semaphore_mem>>)
      %dma_wait3A = arith.constant 0 : i32
      %dma_wait3A_32 = tpu.memref_slice %arg13[%mul3A_4, %dma_wait3A] : memref<10112x128xf32, #tpu.memory_space<vmem_shared>> -> memref<632x128xf32, #tpu.memory_space<vmem_shared>>
      %dma_wait3A_33 = arith.constant 0 : i32
      %dma_wait3A_34 = tpu.memref_slice %arg5[%mul3A_2, %dma_wait3A_33] : memref<10112x128xf32, #tpu.memory_space<hbm>> -> memref<632x128xf32, #tpu.memory_space<hbm>>
      tpu.wait_dma2 semaphore(%run_scoped3A : memref<!tpu.dma_semaphore, #tpu.memory_space<semaphore_mem>>) src(%dma_wait3A_34 : memref<632x128xf32, #tpu.memory_space<hbm>>) dst(%dma_wait3A_32 : memref<632x128xf32, #tpu.memory_space<vmem_shared>>)
      tpu.yield
    }) : () -> ()
    "tpu.region"() ({
      %run_scoped3A = tpu.sem_alloc : memref<!tpu.dma_semaphore, #tpu.memory_space<semaphore_mem>>
      %dma_start3A = arith.constant 0 : i32
      %dma_start3A_29 = arith.constant 0 : i32
      %dma_start3A_30 = tpu.memref_slice %arg5[%dma_start3A, %dma_start3A_29] : memref<10112x128xf32, #tpu.memory_space<hbm>> -> memref<80x128xf32, #tpu.memory_space<hbm>>
      %dma_start3A_31 = arith.constant 0 : i32
      %dma_start3A_32 = arith.constant 0 : i32
      %dma_start3A_33 = tpu.memref_slice %arg5[%dma_start3A_31, %dma_start3A_32] : memref<10112x128xf32, #tpu.memory_space<hbm>> -> memref<80x128xf32, #tpu.memory_space<hbm>>
      tpu.enqueue_dma source(%dma_start3A_33 : memref<80x128xf32, #tpu.memory_space<hbm>>) target(%arg11 : memref<80x128xf32, #tpu.memory_space<vmem>>) target_semaphore(%run_scoped3A : memref<!tpu.dma_semaphore, #tpu.memory_space<semaphore_mem>>)
      %dma_wait3A = arith.constant 0 : i32
      %dma_wait3A_34 = arith.constant 0 : i32
      %dma_wait3A_35 = tpu.memref_slice %arg5[%dma_wait3A, %dma_wait3A_34] : memref<10112x128xf32, #tpu.memory_space<hbm>> -> memref<80x128xf32, #tpu.memory_space<hbm>>
      %dma_wait3A_36 = arith.constant 0 : i32
      %dma_wait3A_37 = arith.constant 0 : i32
      %dma_wait3A_38 = tpu.memref_slice %arg5[%dma_wait3A_36, %dma_wait3A_37] : memref<10112x128xf32, #tpu.memory_space<hbm>> -> memref<80x128xf32, #tpu.memory_space<hbm>>
      tpu.wait_dma2 semaphore(%run_scoped3A : memref<!tpu.dma_semaphore, #tpu.memory_space<semaphore_mem>>) src(%dma_wait3A_38 : memref<80x128xf32, #tpu.memory_space<hbm>>) dst(%arg11 : memref<80x128xf32, #tpu.memory_space<vmem>>)
      tpu.yield
    }) : () -> ()
    %eq3A = arith.constant 0 : i32
    %eq3A_5 = arith.cmpi eq, %arg1, %eq3A : i32
    %convert_element_type3A = arith.extui %eq3A_5 : i1 to i32
    %cond3A = arith.constant 0 : i32
    %cond3A_6 = arith.cmpi ne, %convert_element_type3A, %cond3A : i32
    scf.if %cond3A_6 {
      "tpu.region"() ({
        %run_scoped3A = tpu.sem_alloc : memref<!tpu.dma_semaphore, #tpu.memory_space<semaphore_mem>>
        %dma_start3A = arith.constant 0 : i32
        %dma_start3A_29 = arith.constant 0 : i32
        %dma_start3A_30 = tpu.memref_slice %arg5[%dma_start3A, %dma_start3A_29] : memref<10112x128xf32, #tpu.memory_space<hbm>> -> memref<80x128xf32, #tpu.memory_space<hbm>>
        tpu.enqueue_dma source(%dma_start3A_30 : memref<80x128xf32, #tpu.memory_space<hbm>>) target(%arg14 : memref<80x128xf32, #tpu.memory_space<vmem_shared>>) target_semaphore(%run_scoped3A : memref<!tpu.dma_semaphore, #tpu.memory_space<semaphore_mem>>)
        %dma_wait3A = arith.constant 0 : i32
        %dma_wait3A_31 = arith.constant 0 : i32
        %dma_wait3A_32 = tpu.memref_slice %arg5[%dma_wait3A, %dma_wait3A_31] : memref<10112x128xf32, #tpu.memory_space<hbm>> -> memref<80x128xf32, #tpu.memory_space<hbm>>
        tpu.wait_dma2 semaphore(%run_scoped3A : memref<!tpu.dma_semaphore, #tpu.memory_space<semaphore_mem>>) src(%dma_wait3A_32 : memref<80x128xf32, #tpu.memory_space<hbm>>) dst(%arg14 : memref<80x128xf32, #tpu.memory_space<vmem_shared>>)
        tpu.yield
      }) : () -> ()
    } else {
    }
    %scan3A = arith.constant 0 : i32
    %scan3A_7 = arith.constant 5 : i32
    %scan3A_8 = arith.addi %scan3A, %scan3A_7 : i32
    %scan3A_9 = arith.constant 1 : i32
    scf.for %scan3A_29 = %scan3A to %scan3A_8 step %scan3A_9  : i32 {
      %mul3A_30 = arith.constant 1 : i32
      %mul3A_31 = arith.muli %scan3A_29, %mul3A_30 : i32
      %add3A_32 = arith.constant 0 : i32
      %add3A_33 = arith.addi %add3A_32, %mul3A_31 : i32
      %iota3A = tpu.iota {dimensions = array<i32: 0>} : vector<16xi32>
      %mul3A_34 = arith.constant 16 : i32
      %mul3A_35 = arith.muli %add3A_33, %mul3A_34 : i32
      %add3A_36 = vector.broadcast %mul3A_35 : i32 to vector<16xi32>
      %add3A_37 = arith.addi %iota3A, %add3A_36 : vector<16xi32>
      %mul3A_38 = arith.constant 16 : i32
      %mul3A_39 = arith.muli %add3A_33, %mul3A_38 : i32
      %swap3A = arith.index_cast %mul3A_39 : i32 to index
      %swap3A_40 = tpu.vector_load %arg12[%swap3A] {strides = array<i32>} : memref<80xi32, #tpu.memory_space<vmem>>, vector<16xi32>,
      tpu.vector_store %arg12[%swap3A], %add3A_37 {strides = array<i32>} : memref<80xi32, #tpu.memory_space<vmem>>, vector<16xi32>,
    }
    %scan3A_10 = arith.constant 5 : i32
    %barrier3A = arith.constant 0 : index
    tpu.barrier barrier_id(%barrier3A)
    %mul3A_11 = arith.constant 10000 : i32
    %mul3A_12 = arith.muli %add3A, %mul3A_11 : i32
    %broadcast_in_dim3A = arith.constant 1.000000e+00 : f32
    %broadcast_in_dim3A_13 = vector.broadcast %broadcast_in_dim3A : f32 to vector<16xf32>
    %scan3A_14 = arith.constant 0 : i32
    %scan3A_15 = arith.constant 125 : i32
    %scan3A_16 = arith.addi %scan3A_14, %scan3A_15 : i32
    %scan3A_17 = arith.constant 1 : i32
    scf.for %scan3A_29 = %scan3A_14 to %scan3A_16 step %scan3A_17  : i32 {
      %mul3A_30 = arith.constant 1 : i32
      %mul3A_31 = arith.muli %scan3A_29, %mul3A_30 : i32
      %add3A_32 = arith.constant 0 : i32
      %add3A_33 = arith.addi %add3A_32, %mul3A_31 : i32
      %mul3A_34 = arith.constant 80 : i32
      %mul3A_35 = arith.muli %add3A_33, %mul3A_34 : i32
      %add3A_36 = arith.addi %mul3A_12, %mul3A_35 : i32
      "tpu.region"() ({
        %run_scoped3A = tpu.sem_alloc : memref<!tpu.dma_semaphore, #tpu.memory_space<semaphore_mem>>
        %dma_start3A_46 = tpu.memref_slice %arg3[%add3A_36] : memref<320000xi32, #tpu.memory_space<hbm>> -> memref<80xi32, #tpu.memory_space<hbm>>
        %dma_start3A_47 = tpu.memref_slice %arg3[%add3A_36] : memref<320000xi32, #tpu.memory_space<hbm>> -> memref<80xi32, #tpu.memory_space<hbm>>
        tpu.enqueue_dma source(%dma_start3A_47 : memref<80xi32, #tpu.memory_space<hbm>>) target(%arg8 : memref<80xi32, #tpu.memory_space<vmem>>) target_semaphore(%run_scoped3A : memref<!tpu.dma_semaphore, #tpu.memory_space<semaphore_mem>>)
        %dma_wait3A_48 = tpu.memref_slice %arg3[%add3A_36] : memref<320000xi32, #tpu.memory_space<hbm>> -> memref<80xi32, #tpu.memory_space<hbm>>
        %dma_wait3A_49 = tpu.memref_slice %arg3[%add3A_36] : memref<320000xi32, #tpu.memory_space<hbm>> -> memref<80xi32, #tpu.memory_space<hbm>>
        tpu.wait_dma2 semaphore(%run_scoped3A : memref<!tpu.dma_semaphore, #tpu.memory_space<semaphore_mem>>) src(%dma_wait3A_49 : memref<80xi32, #tpu.memory_space<hbm>>) dst(%arg8 : memref<80xi32, #tpu.memory_space<vmem>>)
        tpu.yield
      }) : () -> ()
      "tpu.region"() ({
        %run_scoped3A = tpu.sem_alloc : memref<!tpu.dma_semaphore, #tpu.memory_space<semaphore_mem>>
        %dma_start3A_46 = tpu.memref_slice %arg4[%add3A_36] : memref<320000xi32, #tpu.memory_space<hbm>> -> memref<80xi32, #tpu.memory_space<hbm>>
        %dma_start3A_47 = tpu.memref_slice %arg4[%add3A_36] : memref<320000xi32, #tpu.memory_space<hbm>> -> memref<80xi32, #tpu.memory_space<hbm>>
        tpu.enqueue_dma source(%dma_start3A_47 : memref<80xi32, #tpu.memory_space<hbm>>) target(%arg9 : memref<80xi32, #tpu.memory_space<vmem>>) target_semaphore(%run_scoped3A : memref<!tpu.dma_semaphore, #tpu.memory_space<semaphore_mem>>)
        %dma_wait3A_48 = tpu.memref_slice %arg4[%add3A_36] : memref<320000xi32, #tpu.memory_space<hbm>> -> memref<80xi32, #tpu.memory_space<hbm>>
        %dma_wait3A_49 = tpu.memref_slice %arg4[%add3A_36] : memref<320000xi32, #tpu.memory_space<hbm>> -> memref<80xi32, #tpu.memory_space<hbm>>
        tpu.wait_dma2 semaphore(%run_scoped3A : memref<!tpu.dma_semaphore, #tpu.memory_space<semaphore_mem>>) src(%dma_wait3A_49 : memref<80xi32, #tpu.memory_space<hbm>>) dst(%arg9 : memref<80xi32, #tpu.memory_space<vmem>>)
        tpu.yield
      }) : () -> ()
      %dma_start3A = arith.constant 0 : i32
      %dma_start3A_37 = arith.constant 0 : i32
      %dma_start3A_38 = tpu.memref_slice %arg2[%dma_start3A, %dma_start3A_37] : memref<10000x128xf32, #tpu.memory_space<hbm>> -> memref<10000x128xf32, #tpu.memory_space<hbm>>
      tpu.enqueue_indirect_dma source(%dma_start3A_38 : memref<10000x128xf32, #tpu.memory_space<hbm>>) target(%arg10 : memref<80x128xf32, #tpu.memory_space<vmem>>) offsets(%arg8 : memref<80xi32, #tpu.memory_space<vmem>>) semaphore(%arg15 : memref<!tpu.dma_semaphore, #tpu.memory_space<semaphore_mem>>)
      %dma_wait3A = arith.constant 0 : i32
      %dma_wait3A_39 = arith.constant 0 : i32
      %dma_wait3A_40 = tpu.memref_slice %arg2[%dma_wait3A, %dma_wait3A_39] : memref<10000x128xf32, #tpu.memory_space<hbm>> -> memref<10000x128xf32, #tpu.memory_space<hbm>>
      tpu.wait_indirect_dma semaphore(%arg15 : memref<!tpu.dma_semaphore, #tpu.memory_space<semaphore_mem>>) src(%dma_wait3A_40 : memref<10000x128xf32, #tpu.memory_space<hbm>>) dst(%arg10 : memref<80x128xf32, #tpu.memory_space<vmem>>)
      "tpu.region"() ({
        %run_scoped3A = tpu.sem_alloc : memref<!tpu.dma_semaphore, #tpu.memory_space<semaphore_mem>>
        %dma_start3A_46 = arith.constant 0 : i32
        %dma_start3A_47 = arith.constant 0 : i32
        %dma_start3A_48 = tpu.memref_slice %arg13[%dma_start3A_46, %dma_start3A_47] : memref<10112x128xf32, #tpu.memory_space<vmem_shared>> -> memref<10112x128xf32, #tpu.memory_space<vmem_shared>>
        tpu.enqueue_indirect_dma source(%arg10 : memref<80x128xf32, #tpu.memory_space<vmem>>) target(%dma_start3A_48 : memref<10112x128xf32, #tpu.memory_space<vmem_shared>>) offsets(%arg9 : memref<80xi32, #tpu.memory_space<vmem>>) semaphore(%run_scoped3A : memref<!tpu.dma_semaphore, #tpu.memory_space<semaphore_mem>>) {add = true}
        %dma_wait3A_49 = arith.constant 0 : i32
        %dma_wait3A_50 = arith.constant 0 : i32
        %dma_wait3A_51 = tpu.memref_slice %arg13[%dma_wait3A_49, %dma_wait3A_50] : memref<10112x128xf32, #tpu.memory_space<vmem_shared>> -> memref<10112x128xf32, #tpu.memory_space<vmem_shared>>
        tpu.wait_indirect_dma semaphore(%run_scoped3A : memref<!tpu.dma_semaphore, #tpu.memory_space<semaphore_mem>>) src(%arg10 : memref<80x128xf32, #tpu.memory_space<vmem>>) dst(%dma_wait3A_51 : memref<10112x128xf32, #tpu.memory_space<vmem_shared>>)
        tpu.yield
      }) : () -> ()
      %scan3A_41 = arith.constant 0 : i32
      %scan3A_42 = arith.constant 5 : i32
      %scan3A_43 = arith.addi %scan3A_41, %scan3A_42 : i32
      %scan3A_44 = arith.constant 1 : i32
      scf.for %scan3A_46 = %scan3A_41 to %scan3A_43 step %scan3A_44  : i32 {
        %mul3A_47 = arith.constant 1 : i32
        %mul3A_48 = arith.muli %scan3A_46, %mul3A_47 : i32
        %add3A_49 = arith.constant 0 : i32
        %add3A_50 = arith.addi %add3A_49, %mul3A_48 : i32
        %mul3A_51 = arith.constant 16 : i32
        %mul3A_52 = arith.muli %add3A_50, %mul3A_51 : i32
        %get3A = arith.index_cast %mul3A_52 : i32 to index
        %get3A_53 = tpu.vector_load %arg9[%get3A] {strides = array<i32>} : memref<80xi32, #tpu.memory_space<vmem>>, vector<16xi32>,
        %shift_right_logical3A = arith.constant 7 : i32
        %shift_right_logical3A_54 = vector.broadcast %shift_right_logical3A : i32 to vector<16xi32>
        %shift_right_logical3A_55 = arith.shrui %get3A_53, %shift_right_logical3A_54 : vector<16xi32>
        %and3A = arith.constant 127 : i32
        %and3A_56 = vector.broadcast %and3A : i32 to vector<16xi32>
        %and3A_57 = arith.andi %get3A_53, %and3A_56 : vector<16xi32>
        tpu.vector_store_idx %arg11[%shift_right_logical3A_55, %and3A_57], %broadcast_in_dim3A_13 {add = true} : memref<80x128xf32, #tpu.memory_space<vmem>>[vector<16xi32>, vector<16xi32>], vector<16xf32>,
      }
      %scan3A_45 = arith.constant 5 : i32
    }
    %scan3A_18 = arith.constant 125 : i32
    "tpu.region"() ({
      %run_scoped3A = tpu.sem_alloc : memref<!tpu.dma_semaphore, #tpu.memory_space<semaphore_mem>>
      %dma_start3A = arith.constant 0 : i32
      %dma_start3A_29 = arith.constant 0 : i32
      %dma_start3A_30 = tpu.memref_slice %arg14[%dma_start3A, %dma_start3A_29] : memref<80x128xf32, #tpu.memory_space<vmem_shared>> -> memref<80x128xf32, #tpu.memory_space<vmem_shared>>
      tpu.enqueue_indirect_dma source(%arg11 : memref<80x128xf32, #tpu.memory_space<vmem>>) target(%dma_start3A_30 : memref<80x128xf32, #tpu.memory_space<vmem_shared>>) offsets(%arg12 : memref<80xi32, #tpu.memory_space<vmem>>) semaphore(%run_scoped3A : memref<!tpu.dma_semaphore, #tpu.memory_space<semaphore_mem>>) {add = true}
      %dma_wait3A = arith.constant 0 : i32
      %dma_wait3A_31 = arith.constant 0 : i32
      %dma_wait3A_32 = tpu.memref_slice %arg14[%dma_wait3A, %dma_wait3A_31] : memref<80x128xf32, #tpu.memory_space<vmem_shared>> -> memref<80x128xf32, #tpu.memory_space<vmem_shared>>
      tpu.wait_indirect_dma semaphore(%run_scoped3A : memref<!tpu.dma_semaphore, #tpu.memory_space<semaphore_mem>>) src(%arg11 : memref<80x128xf32, #tpu.memory_space<vmem>>) dst(%dma_wait3A_32 : memref<80x128xf32, #tpu.memory_space<vmem_shared>>)
      tpu.yield
    }) : () -> ()
    %barrier3A_19 = arith.constant 0 : index
    tpu.barrier barrier_id(%barrier3A_19)
    %mul3A_20 = arith.constant 632 : i32
    %mul3A_21 = arith.muli %arg1, %mul3A_20 : i32
    %mul3A_22 = arith.constant 632 : i32
    %mul3A_23 = arith.muli %arg1, %mul3A_22 : i32
    "tpu.region"() ({
      %run_scoped3A = tpu.sem_alloc : memref<!tpu.dma_semaphore, #tpu.memory_space<semaphore_mem>>
      %dma_start3A = arith.constant 0 : i32
      %dma_start3A_29 = tpu.memref_slice %arg6[%arg0, %mul3A_23, %dma_start3A] : memref<2x10112x128xf32, #tpu.memory_space<hbm>> -> memref<1x632x128xf32, #tpu.memory_space<hbm>>
      %dma_start3A_30 = tpu.memref_squeeze %dma_start3A_29 : memref<1x632x128xf32, #tpu.memory_space<hbm>> -> memref<632x128xf32, #tpu.memory_space<hbm>>
      %dma_start3A_31 = arith.constant 0 : i32
      %dma_start3A_32 = tpu.memref_slice %arg13[%mul3A_21, %dma_start3A_31] : memref<10112x128xf32, #tpu.memory_space<vmem_shared>> -> memref<632x128xf32, #tpu.memory_space<vmem_shared>>
      tpu.enqueue_dma source(%dma_start3A_32 : memref<632x128xf32, #tpu.memory_space<vmem_shared>>) target(%dma_start3A_30 : memref<632x128xf32, #tpu.memory_space<hbm>>) target_semaphore(%run_scoped3A : memref<!tpu.dma_semaphore, #tpu.memory_space<semaphore_mem>>)
      %dma_wait3A = arith.constant 0 : i32
      %dma_wait3A_33 = tpu.memref_slice %arg6[%arg0, %mul3A_23, %dma_wait3A] : memref<2x10112x128xf32, #tpu.memory_space<hbm>> -> memref<1x632x128xf32, #tpu.memory_space<hbm>>
      %dma_wait3A_34 = tpu.memref_squeeze %dma_wait3A_33 : memref<1x632x128xf32, #tpu.memory_space<hbm>> -> memref<632x128xf32, #tpu.memory_space<hbm>>
      %dma_wait3A_35 = arith.constant 0 : i32
      %dma_wait3A_36 = tpu.memref_slice %arg13[%mul3A_21, %dma_wait3A_35] : memref<10112x128xf32, #tpu.memory_space<vmem_shared>> -> memref<632x128xf32, #tpu.memory_space<vmem_shared>>
      tpu.wait_dma2 semaphore(%run_scoped3A : memref<!tpu.dma_semaphore, #tpu.memory_space<semaphore_mem>>) src(%dma_wait3A_36 : memref<632x128xf32, #tpu.memory_space<vmem_shared>>) dst(%dma_wait3A_34 : memref<632x128xf32, #tpu.memory_space<hbm>>)
      tpu.yield
    }) : () -> ()
    %eq3A_24 = arith.constant 0 : i32
    %eq3A_25 = arith.cmpi eq, %arg1, %eq3A_24 : i32
    %convert_element_type3A_26 = arith.extui %eq3A_25 : i1 to i32
    %cond3A_27 = arith.constant 0 : i32
    %cond3A_28 = arith.cmpi ne, %convert_element_type3A_26, %cond3A_27 : i32
    scf.if %cond3A_28 {
      "tpu.region"() ({
        %run_scoped3A = tpu.sem_alloc : memref<!tpu.dma_semaphore, #tpu.memory_space<semaphore_mem>>
        %dma_start3A = arith.constant 0 : i32
        %dma_start3A_29 = arith.constant 0 : i32
        %dma_start3A_30 = tpu.memref_slice %arg7[%arg0, %dma_start3A, %dma_start3A_29] : memref<2x80x128xf32, #tpu.memory_space<hbm>> -> memref<1x80x128xf32, #tpu.memory_space<hbm>>
        %dma_start3A_31 = tpu.memref_squeeze %dma_start3A_30 : memref<1x80x128xf32, #tpu.memory_space<hbm>> -> memref<80x128xf32, #tpu.memory_space<hbm>>
        tpu.enqueue_dma source(%arg14 : memref<80x128xf32, #tpu.memory_space<vmem_shared>>) target(%dma_start3A_31 : memref<80x128xf32, #tpu.memory_space<hbm>>) target_semaphore(%run_scoped3A : memref<!tpu.dma_semaphore, #tpu.memory_space<semaphore_mem>>)
        %dma_wait3A = arith.constant 0 : i32
        %dma_wait3A_32 = arith.constant 0 : i32
        %dma_wait3A_33 = tpu.memref_slice %arg7[%arg0, %dma_wait3A, %dma_wait3A_32] : memref<2x80x128xf32, #tpu.memory_space<hbm>> -> memref<1x80x128xf32, #tpu.memory_space<hbm>>
        %dma_wait3A_34 = tpu.memref_squeeze %dma_wait3A_33 : memref<1x80x128xf32, #tpu.memory_space<hbm>> -> memref<80x128xf32, #tpu.memory_space<hbm>>
        tpu.wait_dma2 semaphore(%run_scoped3A : memref<!tpu.dma_semaphore, #tpu.memory_space<semaphore_mem>>) src(%arg14 : memref<80x128xf32, #tpu.memory_space<vmem_shared>>) dst(%dma_wait3A_34 : memref<80x128xf32, #tpu.memory_space<hbm>>)
        tpu.yield
      }) : () -> ()
    } else {
    }
    return
  }
}

#map = affine_map<(d0, d1) -> (0, 0)>
#map1 = affine_map<(d0, d1) -> (0)>
#map2 = affine_map<(d0, d1) -> (0, 0, 0)>
module attributes {stable_mosaic.version = 14 : i64} {
  func.func @k(%arg0: i32, %arg1: i32, %arg2: memref<10000x128xf32, #tpu.memory_space<hbm>>, %arg3: memref<320000xi32, #tpu.memory_space<hbm>>, %arg4: memref<320000xi32, #tpu.memory_space<hbm>>, %arg5: memref<10112x128xf32, #tpu.memory_space<hbm>>, %arg6: memref<2x10112x128xf32, #tpu.memory_space<hbm>>, %arg7: memref<2x80x128xf32, #tpu.memory_space<hbm>>, %arg8: memref<80xi32, #tpu.memory_space<vmem>>, %arg9: memref<80xi32, #tpu.memory_space<vmem>>, %arg10: memref<80x128xf32, #tpu.memory_space<vmem>>, %arg11: memref<80x128xf32, #tpu.memory_space<vmem>>, %arg12: memref<80xi32, #tpu.memory_space<vmem>>, %arg13: memref<10112x128xf32, #tpu.memory_space<vmem_shared>>, %arg14: memref<80x128xf32, #tpu.memory_space<vmem_shared>>, %arg15: memref<!tpu.dma_semaphore, #tpu.memory_space<semaphore_mem>>) attributes {dimension_semantics = [#tpu.dimension_semantics<core_parallel>, #tpu.dimension_semantics<subcore_parallel>], iteration_bounds = array<i64: 2, 16>, scalar_prefetch = 0 : i64, scratch_operands = 8 : i64, tpu.core_type = #tpu.core_type<sc_vector_subcore>, window_params = [{transform_indices = #map}, {transform_indices = #map1}, {transform_indices = #map1}, {transform_indices = #map}, {transform_indices = #map2}, {transform_indices = #map2}]} {
    %mul3A = arith.constant 2 : i32
    %mul3A_0 = arith.muli %arg1, %mul3A : i32
    %add3A = arith.addi %mul3A_0, %arg0 : i32
    %mul3A_1 = arith.constant 632 : i32
    %mul3A_2 = arith.muli %arg1, %mul3A_1 : i32
    %mul3A_3 = arith.constant 632 : i32
    %mul3A_4 = arith.muli %arg1, %mul3A_3 : i32
    "tpu.region"() ({
      %run_scoped3A = tpu.sem_alloc : memref<!tpu.dma_semaphore, #tpu.memory_space<semaphore_mem>>
      %dma_start3A = arith.constant 0 : i32
      %dma_start3A_29 = tpu.memref_slice %arg13[%mul3A_4, %dma_start3A] : memref<10112x128xf32, #tpu.memory_space<vmem_shared>> -> memref<632x128xf32, #tpu.memory_space<vmem_shared>>
      %dma_start3A_30 = arith.constant 0 : i32
      %dma_start3A_31 = tpu.memref_slice %arg5[%mul3A_2, %dma_start3A_30] : memref<10112x128xf32, #tpu.memory_space<hbm>> -> memref<632x128xf32, #tpu.memory_space<hbm>>
      tpu.enqueue_dma source(%dma_start3A_31 : memref<632x128xf32, #tpu.memory_space<hbm>>) target(%dma_start3A_29 : memref<632x128xf32, #tpu.memory_space<vmem_shared>>) target_semaphore(%run_scoped3A : memref<!tpu.dma_semaphore, #tpu.memory_space<semaphore_mem>>)
      %dma_wait3A = arith.constant 0 : i32
      %dma_wait3A_32 = tpu.memref_slice %arg13[%mul3A_4, %dma_wait3A] : memref<10112x128xf32, #tpu.memory_space<vmem_shared>> -> memref<632x128xf32, #tpu.memory_space<vmem_shared>>
      %dma_wait3A_33 = arith.constant 0 : i32
      %dma_wait3A_34 = tpu.memref_slice %arg5[%mul3A_2, %dma_wait3A_33] : memref<10112x128xf32, #tpu.memory_space<hbm>> -> memref<632x128xf32, #tpu.memory_space<hbm>>
      tpu.wait_dma2 semaphore(%run_scoped3A : memref<!tpu.dma_semaphore, #tpu.memory_space<semaphore_mem>>) src(%dma_wait3A_34 : memref<632x128xf32, #tpu.memory_space<hbm>>) dst(%dma_wait3A_32 : memref<632x128xf32, #tpu.memory_space<vmem_shared>>)
      tpu.yield
    }) : () -> ()
    "tpu.region"() ({
      %run_scoped3A = tpu.sem_alloc : memref<!tpu.dma_semaphore, #tpu.memory_space<semaphore_mem>>
      %dma_start3A = arith.constant 0 : i32
      %dma_start3A_29 = arith.constant 0 : i32
      %dma_start3A_30 = tpu.memref_slice %arg5[%dma_start3A, %dma_start3A_29] : memref<10112x128xf32, #tpu.memory_space<hbm>> -> memref<80x128xf32, #tpu.memory_space<hbm>>
      %dma_start3A_31 = arith.constant 0 : i32
      %dma_start3A_32 = arith.constant 0 : i32
      %dma_start3A_33 = tpu.memref_slice %arg5[%dma_start3A_31, %dma_start3A_32] : memref<10112x128xf32, #tpu.memory_space<hbm>> -> memref<80x128xf32, #tpu.memory_space<hbm>>
      tpu.enqueue_dma source(%dma_start3A_33 : memref<80x128xf32, #tpu.memory_space<hbm>>) target(%arg11 : memref<80x128xf32, #tpu.memory_space<vmem>>) target_semaphore(%run_scoped3A : memref<!tpu.dma_semaphore, #tpu.memory_space<semaphore_mem>>)
      %dma_wait3A = arith.constant 0 : i32
      %dma_wait3A_34 = arith.constant 0 : i32
      %dma_wait3A_35 = tpu.memref_slice %arg5[%dma_wait3A, %dma_wait3A_34] : memref<10112x128xf32, #tpu.memory_space<hbm>> -> memref<80x128xf32, #tpu.memory_space<hbm>>
      %dma_wait3A_36 = arith.constant 0 : i32
      %dma_wait3A_37 = arith.constant 0 : i32
      %dma_wait3A_38 = tpu.memref_slice %arg5[%dma_wait3A_36, %dma_wait3A_37] : memref<10112x128xf32, #tpu.memory_space<hbm>> -> memref<80x128xf32, #tpu.memory_space<hbm>>
      tpu.wait_dma2 semaphore(%run_scoped3A : memref<!tpu.dma_semaphore, #tpu.memory_space<semaphore_mem>>) src(%dma_wait3A_38 : memref<80x128xf32, #tpu.memory_space<hbm>>) dst(%arg11 : memref<80x128xf32, #tpu.memory_space<vmem>>)
      tpu.yield
    }) : () -> ()
    %eq3A = arith.constant 0 : i32
    %eq3A_5 = arith.cmpi eq, %arg1, %eq3A : i32
    %convert_element_type3A = arith.extui %eq3A_5 : i1 to i32
    %cond3A = arith.constant 0 : i32
    %cond3A_6 = arith.cmpi ne, %convert_element_type3A, %cond3A : i32
    scf.if %cond3A_6 {
      "tpu.region"() ({
        %run_scoped3A = tpu.sem_alloc : memref<!tpu.dma_semaphore, #tpu.memory_space<semaphore_mem>>
        %dma_start3A = arith.constant 0 : i32
        %dma_start3A_29 = arith.constant 0 : i32
        %dma_start3A_30 = tpu.memref_slice %arg5[%dma_start3A, %dma_start3A_29] : memref<10112x128xf32, #tpu.memory_space<hbm>> -> memref<80x128xf32, #tpu.memory_space<hbm>>
        tpu.enqueue_dma source(%dma_start3A_30 : memref<80x128xf32, #tpu.memory_space<hbm>>) target(%arg14 : memref<80x128xf32, #tpu.memory_space<vmem_shared>>) target_semaphore(%run_scoped3A : memref<!tpu.dma_semaphore, #tpu.memory_space<semaphore_mem>>)
        %dma_wait3A = arith.constant 0 : i32
        %dma_wait3A_31 = arith.constant 0 : i32
        %dma_wait3A_32 = tpu.memref_slice %arg5[%dma_wait3A, %dma_wait3A_31] : memref<10112x128xf32, #tpu.memory_space<hbm>> -> memref<80x128xf32, #tpu.memory_space<hbm>>
        tpu.wait_dma2 semaphore(%run_scoped3A : memref<!tpu.dma_semaphore, #tpu.memory_space<semaphore_mem>>) src(%dma_wait3A_32 : memref<80x128xf32, #tpu.memory_space<hbm>>) dst(%arg14 : memref<80x128xf32, #tpu.memory_space<vmem_shared>>)
        tpu.yield
      }) : () -> ()
    } else {
    }
    %scan3A = arith.constant 0 : i32
    %scan3A_7 = arith.constant 5 : i32
    %scan3A_8 = arith.addi %scan3A, %scan3A_7 : i32
    %scan3A_9 = arith.constant 1 : i32
    scf.for %scan3A_29 = %scan3A to %scan3A_8 step %scan3A_9  : i32 {
      %mul3A_30 = arith.constant 1 : i32
      %mul3A_31 = arith.muli %scan3A_29, %mul3A_30 : i32
      %add3A_32 = arith.constant 0 : i32
      %add3A_33 = arith.addi %add3A_32, %mul3A_31 : i32
      %iota3A = tpu.iota {dimensions = array<i32: 0>} : vector<16xi32>
      %mul3A_34 = arith.constant 16 : i32
      %mul3A_35 = arith.muli %add3A_33, %mul3A_34 : i32
      %add3A_36 = vector.broadcast %mul3A_35 : i32 to vector<16xi32>
      %add3A_37 = arith.addi %iota3A, %add3A_36 : vector<16xi32>
      %mul3A_38 = arith.constant 16 : i32
      %mul3A_39 = arith.muli %add3A_33, %mul3A_38 : i32
      %swap3A = arith.index_cast %mul3A_39 : i32 to index
      %swap3A_40 = tpu.vector_load %arg12[%swap3A] {strides = array<i32>} : memref<80xi32, #tpu.memory_space<vmem>>, vector<16xi32>,
      tpu.vector_store %arg12[%swap3A], %add3A_37 {strides = array<i32>} : memref<80xi32, #tpu.memory_space<vmem>>, vector<16xi32>,
    }
    %scan3A_10 = arith.constant 5 : i32
    %barrier3A = arith.constant 0 : index
    tpu.barrier barrier_id(%barrier3A)
    %mul3A_11 = arith.constant 10000 : i32
    %mul3A_12 = arith.muli %add3A, %mul3A_11 : i32
    %broadcast_in_dim3A = arith.constant 1.000000e+00 : f32
    %broadcast_in_dim3A_13 = vector.broadcast %broadcast_in_dim3A : f32 to vector<16xf32>
    %scan3A_14 = arith.constant 0 : i32
    %scan3A_15 = arith.constant 125 : i32
    %scan3A_16 = arith.addi %scan3A_14, %scan3A_15 : i32
    %scan3A_17 = arith.constant 1 : i32
    scf.for %scan3A_29 = %scan3A_14 to %scan3A_16 step %scan3A_17  : i32 {
      %mul3A_30 = arith.constant 1 : i32
      %mul3A_31 = arith.muli %scan3A_29, %mul3A_30 : i32
      %add3A_32 = arith.constant 0 : i32
      %add3A_33 = arith.addi %add3A_32, %mul3A_31 : i32
      %mul3A_34 = arith.constant 80 : i32
      %mul3A_35 = arith.muli %add3A_33, %mul3A_34 : i32
      %add3A_36 = arith.addi %mul3A_12, %mul3A_35 : i32
      "tpu.region"() ({
        %run_scoped3A = tpu.sem_alloc : memref<!tpu.dma_semaphore, #tpu.memory_space<semaphore_mem>>
        %dma_start3A_46 = tpu.memref_slice %arg3[%add3A_36] : memref<320000xi32, #tpu.memory_space<hbm>> -> memref<80xi32, #tpu.memory_space<hbm>>
        %dma_start3A_47 = tpu.memref_slice %arg3[%add3A_36] : memref<320000xi32, #tpu.memory_space<hbm>> -> memref<80xi32, #tpu.memory_space<hbm>>
        tpu.enqueue_dma source(%dma_start3A_47 : memref<80xi32, #tpu.memory_space<hbm>>) target(%arg8 : memref<80xi32, #tpu.memory_space<vmem>>) target_semaphore(%run_scoped3A : memref<!tpu.dma_semaphore, #tpu.memory_space<semaphore_mem>>)
        %dma_wait3A_48 = tpu.memref_slice %arg3[%add3A_36] : memref<320000xi32, #tpu.memory_space<hbm>> -> memref<80xi32, #tpu.memory_space<hbm>>
        %dma_wait3A_49 = tpu.memref_slice %arg3[%add3A_36] : memref<320000xi32, #tpu.memory_space<hbm>> -> memref<80xi32, #tpu.memory_space<hbm>>
        tpu.wait_dma2 semaphore(%run_scoped3A : memref<!tpu.dma_semaphore, #tpu.memory_space<semaphore_mem>>) src(%dma_wait3A_49 : memref<80xi32, #tpu.memory_space<hbm>>) dst(%arg8 : memref<80xi32, #tpu.memory_space<vmem>>)
        tpu.yield
      }) : () -> ()
      "tpu.region"() ({
        %run_scoped3A = tpu.sem_alloc : memref<!tpu.dma_semaphore, #tpu.memory_space<semaphore_mem>>
        %dma_start3A_46 = tpu.memref_slice %arg4[%add3A_36] : memref<320000xi32, #tpu.memory_space<hbm>> -> memref<80xi32, #tpu.memory_space<hbm>>
        %dma_start3A_47 = tpu.memref_slice %arg4[%add3A_36] : memref<320000xi32, #tpu.memory_space<hbm>> -> memref<80xi32, #tpu.memory_space<hbm>>
        tpu.enqueue_dma source(%dma_start3A_47 : memref<80xi32, #tpu.memory_space<hbm>>) target(%arg9 : memref<80xi32, #tpu.memory_space<vmem>>) target_semaphore(%run_scoped3A : memref<!tpu.dma_semaphore, #tpu.memory_space<semaphore_mem>>)
        %dma_wait3A_48 = tpu.memref_slice %arg4[%add3A_36] : memref<320000xi32, #tpu.memory_space<hbm>> -> memref<80xi32, #tpu.memory_space<hbm>>
        %dma_wait3A_49 = tpu.memref_slice %arg4[%add3A_36] : memref<320000xi32, #tpu.memory_space<hbm>> -> memref<80xi32, #tpu.memory_space<hbm>>
        tpu.wait_dma2 semaphore(%run_scoped3A : memref<!tpu.dma_semaphore, #tpu.memory_space<semaphore_mem>>) src(%dma_wait3A_49 : memref<80xi32, #tpu.memory_space<hbm>>) dst(%arg9 : memref<80xi32, #tpu.memory_space<vmem>>)
        tpu.yield
      }) : () -> ()
      %dma_start3A = arith.constant 0 : i32
      %dma_start3A_37 = arith.constant 0 : i32
      %dma_start3A_38 = tpu.memref_slice %arg2[%dma_start3A, %dma_start3A_37] : memref<10000x128xf32, #tpu.memory_space<hbm>> -> memref<10000x128xf32, #tpu.memory_space<hbm>>
      tpu.enqueue_indirect_dma source(%dma_start3A_38 : memref<10000x128xf32, #tpu.memory_space<hbm>>) target(%arg10 : memref<80x128xf32, #tpu.memory_space<vmem>>) offsets(%arg8 : memref<80xi32, #tpu.memory_space<vmem>>) semaphore(%arg15 : memref<!tpu.dma_semaphore, #tpu.memory_space<semaphore_mem>>)
      %dma_wait3A = arith.constant 0 : i32
      %dma_wait3A_39 = arith.constant 0 : i32
      %dma_wait3A_40 = tpu.memref_slice %arg2[%dma_wait3A, %dma_wait3A_39] : memref<10000x128xf32, #tpu.memory_space<hbm>> -> memref<10000x128xf32, #tpu.memory_space<hbm>>
      tpu.wait_indirect_dma semaphore(%arg15 : memref<!tpu.dma_semaphore, #tpu.memory_space<semaphore_mem>>) src(%dma_wait3A_40 : memref<10000x128xf32, #tpu.memory_space<hbm>>) dst(%arg10 : memref<80x128xf32, #tpu.memory_space<vmem>>)
      "tpu.region"() ({
        %run_scoped3A = tpu.sem_alloc : memref<!tpu.dma_semaphore, #tpu.memory_space<semaphore_mem>>
        %dma_start3A_46 = arith.constant 0 : i32
        %dma_start3A_47 = arith.constant 0 : i32
        %dma_start3A_48 = tpu.memref_slice %arg13[%dma_start3A_46, %dma_start3A_47] : memref<10112x128xf32, #tpu.memory_space<vmem_shared>> -> memref<10112x128xf32, #tpu.memory_space<vmem_shared>>
        tpu.enqueue_indirect_dma source(%arg10 : memref<80x128xf32, #tpu.memory_space<vmem>>) target(%dma_start3A_48 : memref<10112x128xf32, #tpu.memory_space<vmem_shared>>) offsets(%arg9 : memref<80xi32, #tpu.memory_space<vmem>>) semaphore(%run_scoped3A : memref<!tpu.dma_semaphore, #tpu.memory_space<semaphore_mem>>) {add = true}
        %dma_wait3A_49 = arith.constant 0 : i32
        %dma_wait3A_50 = arith.constant 0 : i32
        %dma_wait3A_51 = tpu.memref_slice %arg13[%dma_wait3A_49, %dma_wait3A_50] : memref<10112x128xf32, #tpu.memory_space<vmem_shared>> -> memref<10112x128xf32, #tpu.memory_space<vmem_shared>>
        tpu.wait_indirect_dma semaphore(%run_scoped3A : memref<!tpu.dma_semaphore, #tpu.memory_space<semaphore_mem>>) src(%arg10 : memref<80x128xf32, #tpu.memory_space<vmem>>) dst(%dma_wait3A_51 : memref<10112x128xf32, #tpu.memory_space<vmem_shared>>)
        tpu.yield
      }) : () -> ()
      %scan3A_41 = arith.constant 0 : i32
      %scan3A_42 = arith.constant 5 : i32
      %scan3A_43 = arith.addi %scan3A_41, %scan3A_42 : i32
      %scan3A_44 = arith.constant 1 : i32
      scf.for %scan3A_46 = %scan3A_41 to %scan3A_43 step %scan3A_44  : i32 {
        %mul3A_47 = arith.constant 1 : i32
        %mul3A_48 = arith.muli %scan3A_46, %mul3A_47 : i32
        %add3A_49 = arith.constant 0 : i32
        %add3A_50 = arith.addi %add3A_49, %mul3A_48 : i32
        %mul3A_51 = arith.constant 16 : i32
        %mul3A_52 = arith.muli %add3A_50, %mul3A_51 : i32
        %get3A = arith.index_cast %mul3A_52 : i32 to index
        %get3A_53 = tpu.vector_load %arg9[%get3A] {strides = array<i32>} : memref<80xi32, #tpu.memory_space<vmem>>, vector<16xi32>,
        %shift_right_logical3A = arith.constant 7 : i32
        %shift_right_logical3A_54 = vector.broadcast %shift_right_logical3A : i32 to vector<16xi32>
        %shift_right_logical3A_55 = arith.shrui %get3A_53, %shift_right_logical3A_54 : vector<16xi32>
        %and3A = arith.constant 127 : i32
        %and3A_56 = vector.broadcast %and3A : i32 to vector<16xi32>
        %and3A_57 = arith.andi %get3A_53, %and3A_56 : vector<16xi32>
        tpu.vector_store_idx %arg11[%shift_right_logical3A_55, %and3A_57], %broadcast_in_dim3A_13 {add = true} : memref<80x128xf32, #tpu.memory_space<vmem>>[vector<16xi32>, vector<16xi32>], vector<16xf32>,
      }
      %scan3A_45 = arith.constant 5 : i32
    }
    %scan3A_18 = arith.constant 125 : i32
    "tpu.region"() ({
      %run_scoped3A = tpu.sem_alloc : memref<!tpu.dma_semaphore, #tpu.memory_space<semaphore_mem>>
      %dma_start3A = arith.constant 0 : i32
      %dma_start3A_29 = arith.constant 0 : i32
      %dma_start3A_30 = tpu.memref_slice %arg14[%dma_start3A, %dma_start3A_29] : memref<80x128xf32, #tpu.memory_space<vmem_shared>> -> memref<80x128xf32, #tpu.memory_space<vmem_shared>>
      tpu.enqueue_indirect_dma source(%arg11 : memref<80x128xf32, #tpu.memory_space<vmem>>) target(%dma_start3A_30 : memref<80x128xf32, #tpu.memory_space<vmem_shared>>) offsets(%arg12 : memref<80xi32, #tpu.memory_space<vmem>>) semaphore(%run_scoped3A : memref<!tpu.dma_semaphore, #tpu.memory_space<semaphore_mem>>) {add = true}
      %dma_wait3A = arith.constant 0 : i32
      %dma_wait3A_31 = arith.constant 0 : i32
      %dma_wait3A_32 = tpu.memref_slice %arg14[%dma_wait3A, %dma_wait3A_31] : memref<80x128xf32, #tpu.memory_space<vmem_shared>> -> memref<80x128xf32, #tpu.memory_space<vmem_shared>>
      tpu.wait_indirect_dma semaphore(%run_scoped3A : memref<!tpu.dma_semaphore, #tpu.memory_space<semaphore_mem>>) src(%arg11 : memref<80x128xf32, #tpu.memory_space<vmem>>) dst(%dma_wait3A_32 : memref<80x128xf32, #tpu.memory_space<vmem_shared>>)
      tpu.yield
    }) : () -> ()
    %barrier3A_19 = arith.constant 0 : index
    tpu.barrier barrier_id(%barrier3A_19)
    %mul3A_20 = arith.constant 632 : i32
    %mul3A_21 = arith.muli %arg1, %mul3A_20 : i32
    %mul3A_22 = arith.constant 632 : i32
    %mul3A_23 = arith.muli %arg1, %mul3A_22 : i32
    "tpu.region"() ({
      %run_scoped3A = tpu.sem_alloc : memref<!tpu.dma_semaphore, #tpu.memory_space<semaphore_mem>>
      %dma_start3A = arith.constant 0 : i32
      %dma_start3A_29 = tpu.memref_slice %arg6[%arg0, %mul3A_23, %dma_start3A] : memref<2x10112x128xf32, #tpu.memory_space<hbm>> -> memref<1x632x128xf32, #tpu.memory_space<hbm>>
      %dma_start3A_30 = tpu.memref_squeeze %dma_start3A_29 : memref<1x632x128xf32, #tpu.memory_space<hbm>> -> memref<632x128xf32, #tpu.memory_space<hbm>>
      %dma_start3A_31 = arith.constant 0 : i32
      %dma_start3A_32 = tpu.memref_slice %arg13[%mul3A_21, %dma_start3A_31] : memref<10112x128xf32, #tpu.memory_space<vmem_shared>> -> memref<632x128xf32, #tpu.memory_space<vmem_shared>>
      tpu.enqueue_dma source(%dma_start3A_32 : memref<632x128xf32, #tpu.memory_space<vmem_shared>>) target(%dma_start3A_30 : memref<632x128xf32, #tpu.memory_space<hbm>>) target_semaphore(%run_scoped3A : memref<!tpu.dma_semaphore, #tpu.memory_space<semaphore_mem>>)
      %dma_wait3A = arith.constant 0 : i32
      %dma_wait3A_33 = tpu.memref_slice %arg6[%arg0, %mul3A_23, %dma_wait3A] : memref<2x10112x128xf32, #tpu.memory_space<hbm>> -> memref<1x632x128xf32, #tpu.memory_space<hbm>>
      %dma_wait3A_34 = tpu.memref_squeeze %dma_wait3A_33 : memref<1x632x128xf32, #tpu.memory_space<hbm>> -> memref<632x128xf32, #tpu.memory_space<hbm>>
      %dma_wait3A_35 = arith.constant 0 : i32
      %dma_wait3A_36 = tpu.memref_slice %arg13[%mul3A_21, %dma_wait3A_35] : memref<10112x128xf32, #tpu.memory_space<vmem_shared>> -> memref<632x128xf32, #tpu.memory_space<vmem_shared>>
      tpu.wait_dma2 semaphore(%run_scoped3A : memref<!tpu.dma_semaphore, #tpu.memory_space<semaphore_mem>>) src(%dma_wait3A_36 : memref<632x128xf32, #tpu.memory_space<vmem_shared>>) dst(%dma_wait3A_34 : memref<632x128xf32, #tpu.memory_space<hbm>>)
      tpu.yield
    }) : () -> ()
    %eq3A_24 = arith.constant 0 : i32
    %eq3A_25 = arith.cmpi eq, %arg1, %eq3A_24 : i32
    %convert_element_type3A_26 = arith.extui %eq3A_25 : i1 to i32
    %cond3A_27 = arith.constant 0 : i32
    %cond3A_28 = arith.cmpi ne, %convert_element_type3A_26, %cond3A_27 : i32
    scf.if %cond3A_28 {
      "tpu.region"() ({
        %run_scoped3A = tpu.sem_alloc : memref<!tpu.dma_semaphore, #tpu.memory_space<semaphore_mem>>
        %dma_start3A = arith.constant 0 : i32
        %dma_start3A_29 = arith.constant 0 : i32
        %dma_start3A_30 = tpu.memref_slice %arg7[%arg0, %dma_start3A, %dma_start3A_29] : memref<2x80x128xf32, #tpu.memory_space<hbm>> -> memref<1x80x128xf32, #tpu.memory_space<hbm>>
        %dma_start3A_31 = tpu.memref_squeeze %dma_start3A_30 : memref<1x80x128xf32, #tpu.memory_space<hbm>> -> memref<80x128xf32, #tpu.memory_space<hbm>>
        tpu.enqueue_dma source(%arg14 : memref<80x128xf32, #tpu.memory_space<vmem_shared>>) target(%dma_start3A_31 : memref<80x128xf32, #tpu.memory_space<hbm>>) target_semaphore(%run_scoped3A : memref<!tpu.dma_semaphore, #tpu.memory_space<semaphore_mem>>)
        %dma_wait3A = arith.constant 0 : i32
        %dma_wait3A_32 = arith.constant 0 : i32
        %dma_wait3A_33 = tpu.memref_slice %arg7[%arg0, %dma_wait3A, %dma_wait3A_32] : memref<2x80x128xf32, #tpu.memory_space<hbm>> -> memref<1x80x128xf32, #tpu.memory_space<hbm>>
        %dma_wait3A_34 = tpu.memref_squeeze %dma_wait3A_33 : memref<1x80x128xf32, #tpu.memory_space<hbm>> -> memref<80x128xf32, #tpu.memory_space<hbm>>
        tpu.wait_dma2 semaphore(%run_scoped3A : memref<!tpu.dma_semaphore, #tpu.memory_space<semaphore_mem>>) src(%arg14 : memref<80x128xf32, #tpu.memory_space<vmem_shared>>) dst(%dma_wait3A_34 : memref<80x128xf32, #tpu.memory_space<hbm>>)
        tpu.yield
      }) : () -> ()
    } else {
    }
    return
  }
}

module attributes {stable_mosaic.version = 14 : i64} {
  func.func @_linear_body(%arg0: i32, %arg1: memref<1000x128xf32, #tpu.memory_space<vmem>>, %arg2: memref<128x128xf32, #tpu.memory_space<vmem>>, %arg3: memref<1x128xf32, #tpu.memory_space<vmem>>, %arg4: memref<1000x128xf32, #tpu.memory_space<vmem>>) attributes {dimension_semantics = [#tpu.dimension_semantics<arbitrary>], iteration_bounds = array<i64: 10>, scalar_prefetch = 0 : i64, scratch_operands = 0 : i64, tpu.core_type = #tpu.core_type<tc>, window_params = [{transform_indices = @transform_0, window_bounds = array<i64: 1000, 128>}, {pipeline_mode = #tpu.pipeline_mode<synchronous>, transform_indices = @transform_1, window_bounds = array<i64: 128, 128>}, {pipeline_mode = #tpu.pipeline_mode<synchronous>, transform_indices = @transform_2, window_bounds = array<i64: 1, 128>}, {transform_indices = @transform_3, window_bounds = array<i64: 1000, 128>}]} {
    %get3A = arith.constant 0 : index
    %get3A_0 = arith.constant 0 : index
    %get3A_1 = vector.load %arg1[%get3A, %get3A_0] : memref<1000x128xf32, #tpu.memory_space<vmem>>, vector<1000x128xf32>
    %get3A_2 = arith.constant 0 : index
    %get3A_3 = arith.constant 0 : index
    %get3A_4 = vector.load %arg2[%get3A_2, %get3A_3] : memref<128x128xf32, #tpu.memory_space<vmem>>, vector<128x128xf32>
    %dot_general3A = arith.constant dense<0.000000e+00> : vector<1000x128xf32>
    %dot_general3A_5 = tpu.matmul %get3A_1, %get3A_4, %dot_general3A {dimension_numbers = #tpu.dot_dimension_numbers<[1], [0], [0], [1], [0, 0, 1, 1], [], []>, transpose_lhs_hint = false} : vector<1000x128xf32>, vector<128x128xf32>, vector<1000x128xf32> -> vector<1000x128xf32>
    %get3A_6 = arith.constant 0 : index
    %get3A_7 = arith.constant 0 : index
    %get3A_8 = vector.load %arg3[%get3A_6, %get3A_7] : memref<1x128xf32, #tpu.memory_space<vmem>>, vector<1x128xf32>
    %add3A = vector.broadcast %get3A_8 : vector<1x128xf32> to vector<1000x128xf32>
    %add3A_9 = arith.addf %dot_general3A_5, %add3A : vector<1000x128xf32>
    %swap3A = arith.constant 0 : index
    %swap3A_10 = arith.constant 0 : index
    %swap3A_11 = vector.load %arg4[%swap3A, %swap3A_10] : memref<1000x128xf32, #tpu.memory_space<vmem>>, vector<1000x128xf32>
    tpu.vector_store %arg4[%swap3A, %swap3A_10], %add3A_9 {strides = array<i32>} : memref<1000x128xf32, #tpu.memory_space<vmem>>, vector<1000x128xf32>,
    return
  }
  func.func @transform_0(%arg0: i32) -> (i32, i32) {
    %c0_i32 = arith.constant 0 : i32
    %c0_i32_0 = arith.constant 0 : i32
    return %arg0, %c0_i32 : i32, i32
  }
  func.func @transform_1(%arg0: i32) -> (i32, i32) {
    %c0_i32 = arith.constant 0 : i32
    %c0_i32_0 = arith.constant 0 : i32
    %c0_i32_1 = arith.constant 0 : i32
    return %c0_i32, %c0_i32_0 : i32, i32
  }
  func.func @transform_2(%arg0: i32) -> (i32, i32) {
    %c0_i32 = arith.constant 0 : i32
    %c0_i32_0 = arith.constant 0 : i32
    %c0_i32_1 = arith.constant 0 : i32
    return %c0_i32, %c0_i32_0 : i32, i32
  }
  func.func @transform_3(%arg0: i32) -> (i32, i32) {
    %c0_i32 = arith.constant 0 : i32
    %c0_i32_0 = arith.constant 0 : i32
    return %arg0, %c0_i32 : i32, i32
  }
}

module attributes {stable_mosaic.version = 14 : i64} {
  func.func @_fuse_body(%arg0: i32, %arg1: memref<2x1000x128xf32, #tpu.memory_space<vmem>>, %arg2: memref<2x1000x1xf32, #tpu.memory_space<vmem>>, %arg3: memref<1000x128xf32, #tpu.memory_space<vmem>>, %arg4: memref<256x128xf32, #tpu.memory_space<vmem>>, %arg5: memref<1x128xf32, #tpu.memory_space<vmem>>, %arg6: memref<128x128xf32, #tpu.memory_space<vmem>>, %arg7: memref<1x128xf32, #tpu.memory_space<vmem>>, %arg8: memref<1000x128xf32, #tpu.memory_space<vmem>>, %arg9: memref<1000x128xf32, #tpu.memory_space<vmem>>) attributes {dimension_semantics = [#tpu.dimension_semantics<arbitrary>], iteration_bounds = array<i64: 10>, scalar_prefetch = 0 : i64, scratch_operands = 0 : i64, tpu.core_type = #tpu.core_type<tc>, window_params = [{transform_indices = @transform_0, window_bounds = array<i64: 2, 1000, 128>}, {transform_indices = @transform_1, window_bounds = array<i64: 2, 1000, 1>}, {transform_indices = @transform_2, window_bounds = array<i64: 1000, 128>}, {pipeline_mode = #tpu.pipeline_mode<synchronous>, transform_indices = @transform_3, window_bounds = array<i64: 256, 128>}, {pipeline_mode = #tpu.pipeline_mode<synchronous>, transform_indices = @transform_4, window_bounds = array<i64: 1, 128>}, {pipeline_mode = #tpu.pipeline_mode<synchronous>, transform_indices = @transform_5, window_bounds = array<i64: 128, 128>}, {pipeline_mode = #tpu.pipeline_mode<synchronous>, transform_indices = @transform_6, window_bounds = array<i64: 1, 128>}, {transform_indices = @transform_7, window_bounds = array<i64: 1000, 128>}, {transform_indices = @transform_8, window_bounds = array<i64: 1000, 128>}]} {
    %get3A = arith.constant 0 : index
    %get3A_0 = arith.constant 0 : index
    %get3A_1 = arith.constant 0 : index
    %get3A_2 = vector.load %arg1[%get3A, %get3A_0, %get3A_1] : memref<2x1000x128xf32, #tpu.memory_space<vmem>>, vector<1x1000x128xf32>
    %get3A_3 = vector.shape_cast %get3A_2 : vector<1x1000x128xf32> to vector<1000x128xf32>
    %get3A_4 = arith.constant 1 : index
    %get3A_5 = arith.constant 0 : index
    %get3A_6 = arith.constant 0 : index
    %get3A_7 = vector.load %arg1[%get3A_4, %get3A_5, %get3A_6] : memref<2x1000x128xf32, #tpu.memory_space<vmem>>, vector<1x1000x128xf32>
    %get3A_8 = vector.shape_cast %get3A_7 : vector<1x1000x128xf32> to vector<1000x128xf32>
    %add3A = arith.addf %get3A_3, %get3A_8 : vector<1000x128xf32>
    %get3A_9 = arith.constant 0 : index
    %get3A_10 = arith.constant 0 : index
    %get3A_11 = arith.constant 0 : index
    %get3A_12 = vector.load %arg2[%get3A_9, %get3A_10, %get3A_11] : memref<2x1000x1xf32, #tpu.memory_space<vmem>>, vector<1x1000x1xf32>
    %get3A_13 = vector.shape_cast %get3A_12 : vector<1x1000x1xf32> to vector<1000x1xf32>
    %get3A_14 = arith.constant 1 : index
    %get3A_15 = arith.constant 0 : index
    %get3A_16 = arith.constant 0 : index
    %get3A_17 = vector.load %arg2[%get3A_14, %get3A_15, %get3A_16] : memref<2x1000x1xf32, #tpu.memory_space<vmem>>, vector<1x1000x1xf32>
    %get3A_18 = vector.shape_cast %get3A_17 : vector<1x1000x1xf32> to vector<1000x1xf32>
    %add3A_19 = arith.addf %get3A_13, %get3A_18 : vector<1000x1xf32>
    %max3A = arith.constant 1.000000e+00 : f32
    %max3A_20 = vector.broadcast %max3A : f32 to vector<1000x1xf32>
    %max3A_21 = arith.maximumf %add3A_19, %max3A_20 : vector<1000x1xf32>
    %div3A = vector.broadcast %max3A_21 : vector<1000x1xf32> to vector<1000x128xf32>
    %div3A_22 = arith.divf %add3A, %div3A : vector<1000x128xf32>
    %max3A_23 = arith.constant 0.000000e+00 : f32
    %max3A_24 = vector.broadcast %max3A_23 : f32 to vector<1000x128xf32>
    %max3A_25 = arith.maximumf %div3A_22, %max3A_24 : vector<1000x128xf32>
    %get3A_26 = arith.constant 0 : index
    %get3A_27 = arith.constant 0 : index
    %get3A_28 = vector.load %arg3[%get3A_26, %get3A_27] : memref<1000x128xf32, #tpu.memory_space<vmem>>, vector<1000x128xf32>
    %get3A_29 = arith.constant 0 : index
    %get3A_30 = arith.constant 0 : index
    %get3A_31 = vector.load %arg4[%get3A_29, %get3A_30] : memref<256x128xf32, #tpu.memory_space<vmem>>, vector<128x128xf32>
    %dot_general3A = arith.constant dense<0.000000e+00> : vector<1000x128xf32>
    %dot_general3A_32 = tpu.matmul %get3A_28, %get3A_31, %dot_general3A {dimension_numbers = #tpu.dot_dimension_numbers<[1], [0], [0], [1], [0, 0, 1, 1], [], []>, transpose_lhs_hint = false} : vector<1000x128xf32>, vector<128x128xf32>, vector<1000x128xf32> -> vector<1000x128xf32>
    %get3A_33 = arith.constant 128 : index
    %get3A_34 = arith.constant 0 : index
    %get3A_35 = vector.load %arg4[%get3A_33, %get3A_34] : memref<256x128xf32, #tpu.memory_space<vmem>>, vector<128x128xf32>
    %dot_general3A_36 = arith.constant dense<0.000000e+00> : vector<1000x128xf32>
    %dot_general3A_37 = tpu.matmul %max3A_25, %get3A_35, %dot_general3A_36 {dimension_numbers = #tpu.dot_dimension_numbers<[1], [0], [0], [1], [0, 0, 1, 1], [], []>, transpose_lhs_hint = false} : vector<1000x128xf32>, vector<128x128xf32>, vector<1000x128xf32> -> vector<1000x128xf32>
    %add3A_38 = arith.addf %dot_general3A_32, %dot_general3A_37 : vector<1000x128xf32>
    %get3A_39 = arith.constant 0 : index
    %get3A_40 = arith.constant 0 : index
    %get3A_41 = vector.load %arg5[%get3A_39, %get3A_40] : memref<1x128xf32, #tpu.memory_space<vmem>>, vector<1x128xf32>
    %add3A_42 = vector.broadcast %get3A_41 : vector<1x128xf32> to vector<1000x128xf32>
    %add3A_43 = arith.addf %add3A_38, %add3A_42 : vector<1000x128xf32>
    %swap3A = arith.constant 0 : index
    %swap3A_44 = arith.constant 0 : index
    %swap3A_45 = vector.load %arg8[%swap3A, %swap3A_44] : memref<1000x128xf32, #tpu.memory_space<vmem>>, vector<1000x128xf32>
    tpu.vector_store %arg8[%swap3A, %swap3A_44], %add3A_43 {strides = array<i32>} : memref<1000x128xf32, #tpu.memory_space<vmem>>, vector<1000x128xf32>,
    %get3A_46 = arith.constant 0 : index
    %get3A_47 = arith.constant 0 : index
    %get3A_48 = vector.load %arg6[%get3A_46, %get3A_47] : memref<128x128xf32, #tpu.memory_space<vmem>>, vector<128x128xf32>
    %dot_general3A_49 = arith.constant dense<0.000000e+00> : vector<1000x128xf32>
    %dot_general3A_50 = tpu.matmul %add3A_43, %get3A_48, %dot_general3A_49 {dimension_numbers = #tpu.dot_dimension_numbers<[1], [0], [0], [1], [0, 0, 1, 1], [], []>, transpose_lhs_hint = false} : vector<1000x128xf32>, vector<128x128xf32>, vector<1000x128xf32> -> vector<1000x128xf32>
    %get3A_51 = arith.constant 0 : index
    %get3A_52 = arith.constant 0 : index
    %get3A_53 = vector.load %arg7[%get3A_51, %get3A_52] : memref<1x128xf32, #tpu.memory_space<vmem>>, vector<1x128xf32>
    %add3A_54 = vector.broadcast %get3A_53 : vector<1x128xf32> to vector<1000x128xf32>
    %add3A_55 = arith.addf %dot_general3A_50, %add3A_54 : vector<1000x128xf32>
    %swap3A_56 = arith.constant 0 : index
    %swap3A_57 = arith.constant 0 : index
    %swap3A_58 = vector.load %arg9[%swap3A_56, %swap3A_57] : memref<1000x128xf32, #tpu.memory_space<vmem>>, vector<1000x128xf32>
    tpu.vector_store %arg9[%swap3A_56, %swap3A_57], %add3A_55 {strides = array<i32>} : memref<1000x128xf32, #tpu.memory_space<vmem>>, vector<1000x128xf32>,
    return
  }
  func.func @transform_0(%arg0: i32) -> (i32, i32, i32) {
    %c0_i32 = arith.constant 0 : i32
    %c0_i32_0 = arith.constant 0 : i32
    %c0_i32_1 = arith.constant 0 : i32
    return %c0_i32, %arg0, %c0_i32_0 : i32, i32, i32
  }
  func.func @transform_1(%arg0: i32) -> (i32, i32, i32) {
    %c0_i32 = arith.constant 0 : i32
    %c0_i32_0 = arith.constant 0 : i32
    %c0_i32_1 = arith.constant 0 : i32
    return %c0_i32, %arg0, %c0_i32_0 : i32, i32, i32
  }
  func.func @transform_2(%arg0: i32) -> (i32, i32) {
    %c0_i32 = arith.constant 0 : i32
    %c0_i32_0 = arith.constant 0 : i32
    return %arg0, %c0_i32 : i32, i32
  }
  func.func @transform_3(%arg0: i32) -> (i32, i32) {
    %c0_i32 = arith.constant 0 : i32
    %c0_i32_0 = arith.constant 0 : i32
    %c0_i32_1 = arith.constant 0 : i32
    return %c0_i32, %c0_i32_0 : i32, i32
  }
  func.func @transform_4(%arg0: i32) -> (i32, i32) {
    %c0_i32 = arith.constant 0 : i32
    %c0_i32_0 = arith.constant 0 : i32
    %c0_i32_1 = arith.constant 0 : i32
    return %c0_i32, %c0_i32_0 : i32, i32
  }
  func.func @transform_5(%arg0: i32) -> (i32, i32) {
    %c0_i32 = arith.constant 0 : i32
    %c0_i32_0 = arith.constant 0 : i32
    %c0_i32_1 = arith.constant 0 : i32
    return %c0_i32, %c0_i32_0 : i32, i32
  }
  func.func @transform_6(%arg0: i32) -> (i32, i32) {
    %c0_i32 = arith.constant 0 : i32
    %c0_i32_0 = arith.constant 0 : i32
    %c0_i32_1 = arith.constant 0 : i32
    return %c0_i32, %c0_i32_0 : i32, i32
  }
  func.func @transform_7(%arg0: i32) -> (i32, i32) {
    %c0_i32 = arith.constant 0 : i32
    %c0_i32_0 = arith.constant 0 : i32
    return %arg0, %c0_i32 : i32, i32
  }
  func.func @transform_8(%arg0: i32) -> (i32, i32) {
    %c0_i32 = arith.constant 0 : i32
    %c0_i32_0 = arith.constant 0 : i32
    return %arg0, %c0_i32 : i32, i32
  }
}

module attributes {stable_mosaic.version = 14 : i64} {
  func.func @_finish_body(%arg0: i32, %arg1: memref<2x1000x128xf32, #tpu.memory_space<vmem>>, %arg2: memref<2x1000x1xf32, #tpu.memory_space<vmem>>, %arg3: memref<1000x128xf32, #tpu.memory_space<vmem>>) attributes {dimension_semantics = [#tpu.dimension_semantics<arbitrary>], iteration_bounds = array<i64: 10>, scalar_prefetch = 0 : i64, scratch_operands = 0 : i64, tpu.core_type = #tpu.core_type<tc>, window_params = [{transform_indices = @transform_0, window_bounds = array<i64: 2, 1000, 128>}, {transform_indices = @transform_1, window_bounds = array<i64: 2, 1000, 1>}, {transform_indices = @transform_2, window_bounds = array<i64: 1000, 128>}]} {
    %get3A = arith.constant 0 : index
    %get3A_0 = arith.constant 0 : index
    %get3A_1 = arith.constant 0 : index
    %get3A_2 = vector.load %arg1[%get3A, %get3A_0, %get3A_1] : memref<2x1000x128xf32, #tpu.memory_space<vmem>>, vector<1x1000x128xf32>
    %get3A_3 = vector.shape_cast %get3A_2 : vector<1x1000x128xf32> to vector<1000x128xf32>
    %get3A_4 = arith.constant 1 : index
    %get3A_5 = arith.constant 0 : index
    %get3A_6 = arith.constant 0 : index
    %get3A_7 = vector.load %arg1[%get3A_4, %get3A_5, %get3A_6] : memref<2x1000x128xf32, #tpu.memory_space<vmem>>, vector<1x1000x128xf32>
    %get3A_8 = vector.shape_cast %get3A_7 : vector<1x1000x128xf32> to vector<1000x128xf32>
    %add3A = arith.addf %get3A_3, %get3A_8 : vector<1000x128xf32>
    %get3A_9 = arith.constant 0 : index
    %get3A_10 = arith.constant 0 : index
    %get3A_11 = arith.constant 0 : index
    %get3A_12 = vector.load %arg2[%get3A_9, %get3A_10, %get3A_11] : memref<2x1000x1xf32, #tpu.memory_space<vmem>>, vector<1x1000x1xf32>
    %get3A_13 = vector.shape_cast %get3A_12 : vector<1x1000x1xf32> to vector<1000x1xf32>
    %get3A_14 = arith.constant 1 : index
    %get3A_15 = arith.constant 0 : index
    %get3A_16 = arith.constant 0 : index
    %get3A_17 = vector.load %arg2[%get3A_14, %get3A_15, %get3A_16] : memref<2x1000x1xf32, #tpu.memory_space<vmem>>, vector<1x1000x1xf32>
    %get3A_18 = vector.shape_cast %get3A_17 : vector<1x1000x1xf32> to vector<1000x1xf32>
    %add3A_19 = arith.addf %get3A_13, %get3A_18 : vector<1000x1xf32>
    %max3A = arith.constant 1.000000e+00 : f32
    %max3A_20 = vector.broadcast %max3A : f32 to vector<1000x1xf32>
    %max3A_21 = arith.maximumf %add3A_19, %max3A_20 : vector<1000x1xf32>
    %div3A = vector.broadcast %max3A_21 : vector<1000x1xf32> to vector<1000x128xf32>
    %div3A_22 = arith.divf %add3A, %div3A : vector<1000x128xf32>
    %max3A_23 = arith.constant 0.000000e+00 : f32
    %max3A_24 = vector.broadcast %max3A_23 : f32 to vector<1000x128xf32>
    %max3A_25 = arith.maximumf %div3A_22, %max3A_24 : vector<1000x128xf32>
    %swap3A = arith.constant 0 : index
    %swap3A_26 = arith.constant 0 : index
    %swap3A_27 = vector.load %arg3[%swap3A, %swap3A_26] : memref<1000x128xf32, #tpu.memory_space<vmem>>, vector<1000x128xf32>
    tpu.vector_store %arg3[%swap3A, %swap3A_26], %max3A_25 {strides = array<i32>} : memref<1000x128xf32, #tpu.memory_space<vmem>>, vector<1000x128xf32>,
    return
  }
  func.func @transform_0(%arg0: i32) -> (i32, i32, i32) {
    %c0_i32 = arith.constant 0 : i32
    %c0_i32_0 = arith.constant 0 : i32
    %c0_i32_1 = arith.constant 0 : i32
    return %c0_i32, %arg0, %c0_i32_0 : i32, i32, i32
  }
  func.func @transform_1(%arg0: i32) -> (i32, i32, i32) {
    %c0_i32 = arith.constant 0 : i32
    %c0_i32_0 = arith.constant 0 : i32
    %c0_i32_1 = arith.constant 0 : i32
    return %c0_i32, %arg0, %c0_i32_0 : i32, i32, i32
  }
  func.func @transform_2(%arg0: i32) -> (i32, i32) {
    %c0_i32 = arith.constant 0 : i32
    %c0_i32_0 = arith.constant 0 : i32
    return %arg0, %c0_i32 : i32, i32
  }
}

</mosaic_0001>

<sc_bundles>
// kernel: kernel.10.cloned.1.call-start
scs
__scs_entry_jumppad:
0x0: {  	(pc) =	sbr.rel $0x88, $3  }
0x1: {  	(tag) =	ssettag $0x0;
	lr =	simm.s32 $0x1  }
0x2: {  	[smem:$0x3F98] =	sst lr;
	_ =	strace $0xD0000000  }
0x3: {  	_ = 	snop  }
0x4: {  	_ = 	snop  }
0x5: {  	_ = 	snop  }
0x6: {  	_ = 	snop  }
0x7: {  	_ = 	snop  }
__scs_overlays_trampoline_lowered:
0x8: {  	[smem:$0x3FA7] =	sst s0  }
0x9: {  	[smem:$0x3FA8] =	sst s1  }
0xa: {  	[smem:$0x3FA9] =	sst s2  }
0xb: {  	[smem:$0x3FAA] =	sst s3  }
0xc: {  	[smem:$0x3FAB] =	sst s4  }
0xd: {  	[smem:$0x3FAC] =	sst s5  }
0xe: {  	[smem:$0x3FAD] =	sst s6  }
0xf: {  	[smem:$0x3FAE] =	sst s7  }
0x10: {  	[smem:$0x3FAF] =	sst s8  }
0x11: {  	[smem:$0x3FB0] =	sst s9;
	s0 =	simm.s32 @!p0 $0x0  }
0x12: {  	s1 =	sld [smem:$0x3F96];
	s0 =	simm.s32 @p0 $0x1  }
0x13: {  	[smem:$0x3FB1] =	sst s0;
	s0 =	simm.s32 @!p1 $0x0  }
0x14: {  	s2 =	sld [smem:$0x3F95];
	s0 =	simm.s32 @p1 $0x1  }
0x15: {  	[smem:$0x3FB2] =	sst s0;
	s0 =	simm.s32 @!p2 $0x0  }
0x16: {  	s3 =	sld [smem:$0x3FDB];
	s0 =	simm.s32 @p2 $0x1  }
0x17: {  	s4 =	simm.s32 $0x1BF5;
	[smem:$0x3FB4] =	sst s0  }
0x18: {  	s0 =	sld [smem:$0x3F97];
	_ =	swait.ge [sflag:s4], $0x0  }
0x19: {  	s7 =	sld [smem:$0x3F98]  }
0x1a: {  	s8 =	sadd.s32 $0xFFFFE003, lr  }
0x1b: {  	s9 =	sadd.s32 $0xFFFFFEF7, lr;
	s5 =	simm.s32 $0xFFFFFFFF;
	p2 =	slt.u32 s8, $0xFFFFF086  }
0x1c: {  	p1 =	slt.u32 s9, $0xF7A;
	s5 =	simm.s32 @!p2 $0x0  }
0x1d: {  	s5 =	simm.s32 @p1 $0x1;
	p0 =	seq.s32 s7, s2  }
0x1e: {  	s7 =	smul.u32 @!p0 $0xF7A, s2;
	p2 =	seq.s32 @!p0 s5, $0x0  }
0x1f: {  	s9 =	smul.u32 $0xF7A, s1;
	s8 =	simm.s32 @!p0 $0x1BF5;
	p2 =	por !p2, p0  }
0x20: {  	[sflag:s8] =	ssyncset.s32 @!p0 $0xFFFFF086;
	s6 =	sadd.s32 @!p0 s3, s7;
	s7 =	simm.s32 @!p0 $0x108  }
0x21: {  	s3 =	sadd.s32 s3, s9;
	s6 =	sadd.s32 @!p0 $0x88, s6;
	s7 =	simm.s32 @p2 $0x1082  }
0x22: {  	[simem:s7], [sflag:s8] =	dma.local @!p0 [hbm:s6], $0xF7A  }
0x23: {  	s9 =	sor.u32 $0xD0000000, s2;
	s6 =	simm.s32 $0x108;
	_ =	swait.ge @!p0 [sflag:s8], $0x0  }
0x24: {  	s3 =	sadd.s32 $0x88, s3;
	s6 =	simm.s32 @!p1 $0x1082;
	[sflag:s4] =	ssyncset.s32 $0xFFFFF086  }
0x25: {  	[simem:s6], [sflag:s4] =	dma.local [hbm:s3], $0xF7A  }
0x26: {  	[smem:$0x3F98] =	sst s1;
	(tag) =	ssettag s2;
	_ =	strace s9  }
0x27: {  	s1 =	sld [smem:$0x3FA8]  }
0x28: {  	s2 =	sld [smem:$0x3FA9]  }
0x29: {  	s4 =	sld [smem:$0x3FAB]  }
0x2a: {  	p0 =	seq.s32 s5, $0x0;
	s5 =	sld [smem:$0x3FAC]  }
0x2b: {  	s6 =	sld [smem:$0x3FAD]  }
0x2c: {  	s7 =	sld [smem:$0x3FAE]  }
0x2d: {  	s3 =	simm.s32 $0x108;
	s8 =	sld [smem:$0x3FAF]  }
0x2e: {  	s3 =	simm.s32 @!p0 $0x1082;
	s9 =	sld [smem:$0x3FB0]  }
0x2f: {  	lr =	sadd.s32 s0, s3;
	s0 =	sld [smem:$0x3FA7]  }
0x30: {  	s3 =	sld [smem:$0x3FAA]  }
0x31: {  	[smem:$0x3FB3] =	sst s10  }
0x32: {  	s10 =	sld [smem:$0x3FB1];
	_ =	sdelay $0x3  }
0x33: {  	p0 =	seq.s32 s10, $0x1;
	s10 =	sld [smem:$0x3FB3];
	_ =	sdelay $0x3  }
0x34: {  	[smem:$0x3FB3] =	sst s10  }
0x35: {  	s10 =	sld [smem:$0x3FB2];
	_ =	sdelay $0x3  }
0x36: {  	p1 =	seq.s32 s10, $0x1;
	s10 =	sld [smem:$0x3FB3];
	_ =	sdelay $0x3  }
0x37: {  	[smem:$0x3FB3] =	sst s10  }
0x38: {  	s10 =	sld [smem:$0x3FB4]  }
0x39: {  	_ = 	snop;
	(pc) =	sbr.ind lr, $3  }
0x3a: {  	_ = 	snop  }
0x3b: {  	_ = 	snop  }
0x3c: {  	p2 =	seq.s32 s10, $0x1;
	s10 =	sld [smem:$0x3FB3]  }
0x3d: {  	_ =	shalt  }
0x3e: {  	_ =	shalt  }
0x3f: {  	_ =	shalt  }
0x40: {  	_ =	shalt  }
0x41: {  	_ =	shalt  }
0x42: {  	_ =	shalt  }
0x43: {  	_ =	shalt  }
0x44: {  	_ =	shalt  }
0x45: {  	_ =	shalt  }
0x46: {  	_ =	shalt  }
0x47: {  	_ =	shalt  }
0x48: {  	_ =	shalt  }
0x49: {  	_ =	shalt  }
0x4a: {  	_ =	shalt  }
0x4b: {  	_ =	shalt  }
0x4c: {  	_ =	shalt  }
0x4d: {  	_ =	shalt  }
0x4e: {  	_ =	shalt  }
0x4f: {  	_ =	shalt  }
0x50: {  	_ =	shalt  }
0x51: {  	_ =	shalt  }
0x52: {  	_ =	shalt  }
0x53: {  	_ =	shalt  }
0x54: {  	_ =	shalt  }
0x55: {  	_ =	shalt  }
0x56: {  	_ =	shalt  }
0x57: {  	_ =	shalt  }
0x58: {  	_ =	shalt  }
0x59: {  	_ =	shalt  }
0x5a: {  	_ =	shalt  }
0x5b: {  	_ =	shalt  }
0x5c: {  	_ =	shalt  }
0x5d: {  	_ =	shalt  }
0x5e: {  	_ =	shalt  }
0x5f: {  	_ =	shalt  }
0x60: {  	_ =	shalt  }
0x61: {  	_ =	shalt  }
0x62: {  	_ =	shalt  }
0x63: {  	_ =	shalt  }
0x64: {  	_ =	shalt  }
0x65: {  	_ =	shalt  }
0x66: {  	_ =	shalt  }
0x67: {  	_ =	shalt  }
0x68: {  	_ =	shalt  }
0x69: {  	_ =	shalt  }
0x6a: {  	_ =	shalt  }
0x6b: {  	_ =	shalt  }
0x6c: {  	_ =	shalt  }
0x6d: {  	_ =	shalt  }
0x6e: {  	_ =	shalt  }
0x6f: {  	_ =	shalt  }
0x70: {  	_ =	shalt  }
0x71: {  	_ =	shalt  }
0x72: {  	_ =	shalt  }
0x73: {  	_ =	shalt  }
0x74: {  	_ =	shalt  }
0x75: {  	_ =	shalt  }
0x76: {  	_ =	shalt  }
0x77: {  	_ =	shalt  }
0x78: {  	_ =	shalt  }
0x79: {  	_ =	shalt  }
0x7a: {  	_ =	shalt  }
0x7b: {  	_ =	shalt  }
0x7c: {  	_ =	shalt  }
0x7d: {  	_ =	shalt  }
0x7e: {  	_ =	shalt  }
0x7f: {  	_ =	shalt  }
0x80: {  	_ =	shalt  }
0x81: {  	_ =	shalt  }
0x82: {  	_ =	shalt  }
0x83: {  	_ =	shalt  }
0x84: {  	_ =	shalt  }
0x85: {  	_ =	shalt  }
0x86: {  	_ =	shalt  }
0x87: {  	_ =	shalt  }
.Lfunc_end0:
.L_simem_size_0:
called_computation.1_lowered:
.L_overlay_start_0:
0x88: {  	s2 =	sld [smem:$0x3FD9]  }
0x89: {  	s3 =	sld [smem:$0x3FFE];
	_ =	sdelay $0x1  }
0x8a: {  	s1 =	srdreg.scid  }
0x8b: {  	s0 =	sand.u32 $0x1, s1  }
0x8c: {  	s14 =	sshll.u32 s0, $0xA;
	s2 =	sadd.s32 s3, s2  }
0x8d: {  	s2 =	sadd.s32 s2, s14  }
0x8e: {  	[smem:$0x3FBF] =	sst s2  }
0x8f: {  	_ = 	snop  }
0x90: {  	s2 =	sld [smem:$0x3FD0];
	_ =	sdelay $0x2  }
0x91: {  	s15 =	simm.s32 $0xA;
	s4 =	simm.s32 $0x10  }
0x92: {  	[smem:s4], [sflag:s15] =	dma.local [hbm:s2], $0x1  }
0x93: {  	_ =	swait.eq [sflag:s15], $0x1  }
0x94: {  	[sflag:s15] =	ssyncset.done $0x0  }
0x95: {  	[sflag:s15] =	ssyncadd.s32 $0xFFFFFFFF  }
0x96: {  	s16 =	sld [smem:$0x10];
	(tm) =	ssettm $0x1  }
0x97: {  	s17 =	sld [smem:$0x3FFB];
	_ =	sdelay $0x3  }
0x98: {  	_ =	strace s17  }
0x99: {  	s3 =	sld [smem:$0x3FFC];
	_ =	sdelay $0x3  }
0x9a: {  	_ =	strace s3  }
0x9b: {  	s3 =	sld [smem:$0x3FFD];
	_ =	sdelay $0x3  }
0x9c: {  	_ =	strace s3  }
0x9d: {  	_ =	strace $0x8FFFFFFF  }
0x9e: {  	s18 =	sld [smem:$0x3FDB];
	_ =	sdelay $0x1  }
0x9f: {  	s19 =	simm.s32 $_scs_section_size  }
0xa0: {  	s5 =	simm.s32 $_size__tile_overlayer_lowered;
	s6 =	simm.s32 $_tile_overlayer_lowered  }
0xa1: {  	s22 =	simm.s32 $0x1BFF;
	s21 =	sshll.u32 s6, $0x1;
	s3 =	sadd.s32 s19, s18  }
0xa2: {  	s7 =	simm.s32 $0x0;
	s20 =	sshll.u32 s5, $0x1;
	s5 =	sadd.s32 s21, s3  }
0xa3: {  	[timem:s7], [sflag:s22] =	dma.local [hbm:s5], s20  }
0xa4: {  	_ =	swait.ge [sflag:s22], s20  }
0xa5: {  	s4 =	ssub.s32 $0x0, s20;
	[sflag:s22] =	ssyncset.done $0x0  }
0xa6: {  	[sflag:s22] =	ssyncadd.s32 s4;
	_ =	sdelay $0x1  }
0xa7: {  	s23 =	simm.s32 $0x1B8B  }
0xa8: {  	_ =	swait.ge [sflag:s23], $0x1  }
0xa9: {  	[sflag:s23] =	ssyncset.done $0x0  }
0xaa: {  	s25 =	simm.s32 $0x1B8E;
	s24 =	sld [smem:$0x3FFE];
	[sflag:s23] =	ssyncadd.s32 $0xFFFFFFFF  }
0xab: {  	s26 =	simm.s32 $execute0_lowered;
	[smem:$0x3FD2] =	sst s25  }
0xac: {  	s5 =	sshll.u32 s26, $0x1;
	_ =	strace $0x80000049;
	[dreg:$0x1] =	wrdreg $0xFFFFFFFF  }
0xad: {  	s28 =	simm.s32 $_size_execute0_lowered;
	s3 =	sadd.s32 s3, s5;
	[dreg:$0x0] =	wrdreg $0x0  }
0xae: {  	s5 =	sshll.u32 s28, $0x1;
	[dreg:$0x2] =	wrdreg s3  }
0xaf: {  	[dreg:$0x3] =	wrdreg s5  }
0xb0: {  	[dreg:$0x4] =	wrdreg $0xC0  }
0xb1: {  	_ =	task [dreg:s7], $0x5FFFF  }
0xb2: {  	[dreg:$0x1] =	wrdreg $0xFFFFFFFF  }
0xb3: {  	[dreg:$0x0] =	wrdreg $0x60  }
0xb4: {  	[dreg:$0x2] =	wrdreg s16  }
0xb5: {  	[dreg:$0x3] =	wrdreg s24  }
0xb6: {  	[dreg:$0x4] =	wrdreg $0x51800  }
0xb7: {  	[dreg:$0x5] =	wrdreg $0x18D800  }
0xb8: {  	[dreg:$0x6] =	wrdreg $0x9  }
0xb9: {  	_ =	task.clear_ibuf [dreg:s7], $0x7FFFF;
	_ =	strace $0x90000049  }
0xba: {  	s29 =	simm.s32 $0x9;
	_ =	strace $0x8000004B  }
0xbb: {  	_ =	swait.ge [sflag:s29], $0x1  }
0xbc: {  	[sflag:s29] =	ssyncadd.s32 $0xFFFFFFFF  }
0xbd: {  	_ =	strace $0x9000004B  }
0xbe: {  	_ =	sfence  }
0xbf: {  	s30 =	sld [smem:$0x0];
	_ =	sdelay $0x2  }
0xc0: {  	s31 =	sshll.u32 s1, $0xD;
	s1 =	sshrl.u32 s1, $0x2  }
0xc1: {  	s3 =	sand.u32 $0x4000, s31;
	s1 =	sadd.s32 s1, s30  }
0xc2: {  	s0 =	sor.u32 s3, s0;
	s1 =	sshll.u32 s1, $0x11  }
0xc3: {  	s0 =	sor.u32 s1, s0  }
0xc4: {  	s0 =	sadd.s32 $0x8F2B, s0  }
0xc5: {  	[sflag:s0] =	ssyncadd.remote.s32 $0x1  }
0xc6: {  	_ =	sfence.sel $0xFFFF  }
0xc7: {  	[dreg:$0x0] =	wrdreg $0xFFFFFFFF;
	(pc) =	sbr.abs _section_cstart, $3  }
0xc8: {  	[dreg:$0x1] =	wrdreg $0xFFFFFFFF  }
0xc9: {  	_ =	task.clear_ibuf [dreg:s7], $0x2FFFF;
	_ =	strace $0x9FFFFFFF  }
0xca: {  	(tm) =	ssettm $0x7FFFFFFF  }
0xcb: {  	_ =	shalt  }
tec
execute0_lowered:
.L_overlay_start_1:
0x0: {  	(tag) =	ssettag $0x1  }
0x1: {  	s0 =	rddreg [dreg:$0x0]  }
0x2: {  	s6 =	rddreg [dreg:$0x1];
	s1 =	srdreg.scid  }
0x3: {  	s13 =	stileid.u32;
	s2 =	rddreg [dreg:$0x2]  }
0x4: {  	s3 =	rddreg [dreg:$0x3];
	s4 =	simm.s32 $0x0;
	s17 =	simm.s32 $0x80  }
0x5: {  	s18 =	simm.s32 $0x50;
	s19 =	simm.s32 $0x100;
	s7 =	smul.u32 $0x4E20, s13  }
0x6: {  	s20 =	simm.s32 $0x1;
	s21 =	simm.s32 $0x5100;
	s9 =	smul.u32 $0x13C00, s13  }
0x7: {  	s5 =	sand.u32 $0x1, s1;
	s1 =	rddreg [dreg:$0x4];
	s11 =	smul.u32 $0x4F000, s13  }
0x8: {  	s22 =	simm.s32 $0x0;
	[smem:$0x7FF] =	sst s4;
	s8 =	smul.u32 $0x2710, s5  }
0x9: {  	s31 =	sshll.u32 s13, $0x6;
	p0 =	sne.s32 s13, $0x0;
	s24 =	smul.u32 $0x13C000, s5  }
0xa: {  	_ =	strace $0x8000004A;
	s26 =	smul.u32 $0x500, s5;
	s10 =	ssub.s32 $0x2, s5  }
0xb: {  	s5 =	sadd.s32 $0x16400, s6;
	s28 =	sshrl.u32 s10, $0x1;
	s29 =	sshrl.u32 s11, $0x2  }
0xc: {  	s30 =	sshrl.u32 s9, $0x3;
	s7 =	sadd.s32 s8, s7;
	s25 =	sadd.s32 s9, s24  }
0xd: {  	s15 =	sadd.s32 s26, s6;
	s10 =	ssub.s32 s10, s28;
	s16 =	sadd.s32 s29, s2  }
0xe: {  	s7 =	sshrl.u32 s7, $0x3;
	s9 =	sadd.s32 $0x3DC00, s15;
	s10 =	smax.u32 s10, $0x1  }
0xf: {  	s13 =	sshrl.u32 s16, $0x3;
	s12 =	sadd.s32 s7, s6;
	s7 =	sshrl.u32 s25, $0x3  }
0x10: {  	v0 =	vlaneseq.u32;
	s15 =	simm.s32 $0x2900;
	s16 =	sshrl.u32 @!p0 s3, $0x3;
	s14 =	sadd.s32 s7, s6  }
0x11: {  	v5 =	vimm.f32 $1.000000000e+00;
	v1 =	vor.u32 $0x10, v0;
	s6 =	sadd.s32 s5, s30;
	s7 =	sor.u32 $0x1C02, s31;
	s11 =	sadd.s32 $0xC600, s12  }
0x12: {  	v2 =	vor.u32 $0x20, v0;
	v3 =	vor.u32 $0x30, v0;
	v4 =	vor.u32 $0x40, v0;
	s12 =	sadd.s32 $0x2800, s12;
	s8 =	sadd.s32 $0x3E600, s14;
	s14 =	simm.s32 $0x2  }
.LBB2_1:
0x13: {  	[spmem:s13], [sflag:s7] =	dma.local [hbm:s6], $0x2780  }
0x14: {  	_ =	swait.ge [sflag:s14], $0x2780  }
0x15: {  	[sflag:s14] =	ssyncset.done $0x0  }
0x16: {  	[sflag:s14] =	ssyncadd.s32 $0xFFFFD880  }
0x17: {  	[tilespmem:s15], [sflag:$0x2] =	stream.linear.gather [hbm4b:s5+s4], $0x2800, $0x38;
	[tilespmem:$0x19000] =	vst v63  }
0x18: {  	_ =	swait.ge [sflag:s14], $0x2800  }
0x19: {  	[sflag:s14] =	ssyncset.done $0x0  }
0x1a: {  	s23 =	simm.s32 @!p0 $0x2;
	[sflag:s14] =	ssyncadd.s32 $0xFFFFD800  }
0x1b: {  	[spmem:s16], [sflag:s7] =	dma.local @!p0 [hbm:s5], $0x500  }
0x1c: {  	_ =	swait.ge @!p0 [sflag:s23], $0x500  }
0x1d: {  	[sflag:s23] =	ssyncset.done @!p0 $0x0  }
0x1e: {  	[sflag:s23] =	ssyncadd.s32 @!p0 $0xFFFFFB00  }
0x1f: {  	[tilespmem:$0x5100] =	vst v0  }
0x20: {  	[tilespmem:$0x5110] =	vst v1  }
0x21: {  	[tilespmem:$0x5120] =	vst v2  }
0x22: {  	[tilespmem:$0x5130] =	vst v3  }
0x23: {  	[tilespmem:$0x5140] =	vst v4  }
0x24: {  	s23 =	simm.s32 $0x0;
	[bflag:$0x0] =	sbarrier.arrive $0xFFFF  }
.LBB2_2:
0x25: {  	s24 =	sadd.s32 s23, s12  }
0x26: {  	[tilespmem:s4], [sflag:$0x2] =	stream.linear.gather [hbm4b:s24+s4], $0x50, $0x38;
	[tilespmem:$0x19000] =	vst v63  }
0x27: {  	_ =	swait.ge [sflag:s14], $0x50  }
0x28: {  	[sflag:s14] =	ssyncset.done $0x0  }
0x29: {  	s31 =	sadd.s32 s23, s11;
	[sflag:s14] =	ssyncadd.s32 $0xFFFFFFB0  }
0x2a: {  	[tilespmem:s17], [sflag:$0x2] =	stream.linear.gather [hbm4b:s31+s4], $0x50, $0x38;
	[tilespmem:$0x19000] =	vst v63  }
0x2b: {  	_ =	swait.ge [sflag:s14], $0x50  }
0x2c: {  	[sflag:s14] =	ssyncset.done $0x0  }
0x2d: {  	[sflag:s14] =	ssyncadd.s32 $0xFFFFFFB0  }
0x2e: {  	[tilespmem:s19], [sflag:$0x1] =	stream.indirect.gather [hbm4b:s0+s18], $0x80, s4, s18, $0xb8;
	[tilespmem:$0x19000] =	vst v63  }
0x2f: {  	_ =	swait.ge [sflag:s20], $0x2800  }
0x30: {  	[sflag:s20] =	ssyncset.done $0x0  }
0x31: {  	[sflag:s20] =	ssyncadd.s32 $0xFFFFD800  }
0x32: {  	[spmem:s2] =	stream.indirect.scatter.add.f32 [tilespmem:s19], [sflag:$0x2], $0x80, s17, s18, $0xb8;
	[tilespmem:$0x19000] =	vst v63  }
0x33: {  	_ =	swait.ge [sflag:s14], $0x2800  }
0x34: {  	[sflag:s14] =	ssyncset.done $0x0  }
0x35: {  	[sflag:s14] =	ssyncadd.s32 $0xFFFFD800  }
0x36: {  	v6 =	vld [tilespmem:$0x80];
	_ =	sdelay $0x7  }
0x37: {  	[tilespmem:v6+s15+$0x0] =	vst.idx.add.f32.msk $0xffff, v5  }
0x38: {  	v6 =	vld [tilespmem:$0x90];
	_ =	sdelay $0x7  }
0x39: {  	[tilespmem:v6+s15+$0x0] =	vst.idx.add.f32.msk $0xffff, v5  }
0x3a: {  	v6 =	vld [tilespmem:$0xA0];
	_ =	sdelay $0x7  }
0x3b: {  	[tilespmem:v6+s15+$0x0] =	vst.idx.add.f32.msk $0xffff, v5  }
0x3c: {  	v6 =	vld [tilespmem:$0xB0];
	_ =	sdelay $0x7  }
0x3d: {  	[tilespmem:v6+s15+$0x0] =	vst.idx.add.f32.msk $0xffff, v5  }
0x3e: {  	v6 =	vld [tilespmem:$0xC0];
	_ =	sdelay $0x2  }
0x3f: {  	p1 =	sne.s32 s23, $0x4D8  }
.Ltmp0:
0x40: {  	_ = 	snop;
	(pc) =	sbr.rel @p1 .LBB2_2-.Ltmp0, $2  }
0x41: {  	_ =	sdelay $0x2  }
0x42: {  	s23 =	sadd.s32 $0xA, s23;
	[tilespmem:v6+s15+$0x0] =	vst.idx.add.f32.msk $0xffff, v5  }
0x43: {  	[spmem:s3] =	stream.indirect.scatter.add.f32 [tilespmem:s15], [sflag:$0x2], $0x80, s21, s18, $0xb8;
	[tilespmem:$0x19000] =	vst v63  }
0x44: {  	_ =	swait.ge [sflag:s14], $0x2800  }
0x45: {  	[sflag:s14] =	ssyncset.done $0x0  }
0x46: {  	[sflag:s14] =	ssyncadd.s32 $0xFFFFD800  }
0x47: {  	[bflag:$0x0] =	sbarrier.arrive $0xFFFF  }
0x48: {  	[hbm:s8], [sflag:s7] =	dma.local [spmem:s13], $0x2780  }
0x49: {  	s22 =	sadd.s32 $0x1, s22;
	_ =	swait.ge [sflag:s14], $0x2780  }
0x4a: {  	p1 =	sne.s32 s22, s10;
	[sflag:s14] =	ssyncset.done $0x0  }
.Ltmp1:
0x4b: {  	s23 =	simm.s32 @!p0 $0x2;
	[sflag:s14] =	ssyncadd.s32 $0xFFFFD880;
	(pc) =	sbr.rel @p1 .LBB2_1-.Ltmp1, $4  }
0x4c: {  	[hbm:s9], [sflag:s7] =	dma.local @!p0 [spmem:s16], $0x500  }
0x4d: {  	_ =	swait.ge @!p0 [sflag:s23], $0x500  }
0x4e: {  	[sflag:s23] =	ssyncset.done @!p0 $0x0  }
0x4f: {  	[sflag:s23] =	ssyncadd.s32 @!p0 $0xFFFFFB00  }
0x50: {  	_ =	sfence.sel $0x180000  }
0x51: {  	[bflag:$0x0] =	sbarrier.arrive $0xFFFF  }
0x52: {  	_ =	strace $0x9000004A  }
0x53: {  	s0 =	sadd.s32 @!p0 $0x100000, s1;
	[bflag:$0x2] =	sbarrier.arrive $0xFFFF  }
0x54: {  	[sflag:s0] =	ssyncadd.tile.s32 @!p0 $0x1;
	_ =	shalt  }
.Lfunc_end2:
_tile_overlayer_lowered:
.L_overlay_start_2:
0x55: {  	(tag) =	ssettag $0x2  }
0x56: {  	s0 =	rddreg [dreg:$0x0];
	s2 =	stileid.u32  }
0x57: {  	s1 =	rddreg [dreg:$0x1];
	p0 =	sne.s32 s2, $0x0  }
0x58: {  	s3 =	rddreg [dreg:$0x2];
	[bflag:$0x3] =	sbarrier.arrive $0xFFFF;
	s2 =	simm.s32 @!p0 $0x1C02  }
0x59: {  	[timem:s3], [sflag:s2] =	dma.local @!p0 [hbm:s0], s1  }
0x5a: {  	s0 =	simm.s32 @!p0 $0x2  }
0x5b: {  	_ =	swait.ge @!p0 [sflag:s0], s1  }
0x5c: {  	s1 =	ssub.s32 @!p0 $0x0, s1;
	[sflag:s0] =	ssyncset.done @!p0 $0x0  }
0x5d: {  	[sflag:s0] =	ssyncadd.s32 @!p0 s1  }
0x5e: {  	[bflag:$0x3] =	sbarrier.arrive $0xFFFF  }
0x5f: {  	_ =	shalt  }

// kernel: kernel.7.cloned.1.call-start
scs
__scs_entry_jumppad:
0x0: {  	(pc) =	sbr.rel $0x88, $3  }
0x1: {  	(tag) =	ssettag $0x0;
	lr =	simm.s32 $0x1  }
0x2: {  	[smem:$0x3F98] =	sst lr;
	_ =	strace $0xD0000000  }
0x3: {  	_ = 	snop  }
0x4: {  	_ = 	snop  }
0x5: {  	_ = 	snop  }
0x6: {  	_ = 	snop  }
0x7: {  	_ = 	snop  }
__scs_overlays_trampoline_lowered:
0x8: {  	[smem:$0x3FA7] =	sst s0  }
0x9: {  	[smem:$0x3FA8] =	sst s1  }
0xa: {  	[smem:$0x3FA9] =	sst s2  }
0xb: {  	[smem:$0x3FAA] =	sst s3  }
0xc: {  	[smem:$0x3FAB] =	sst s4  }
0xd: {  	[smem:$0x3FAC] =	sst s5  }
0xe: {  	[smem:$0x3FAD] =	sst s6  }
0xf: {  	[smem:$0x3FAE] =	sst s7  }
0x10: {  	[smem:$0x3FAF] =	sst s8  }
0x11: {  	[smem:$0x3FB0] =	sst s9;
	s0 =	simm.s32 @!p0 $0x0  }
0x12: {  	s1 =	sld [smem:$0x3F96];
	s0 =	simm.s32 @p0 $0x1  }
0x13: {  	[smem:$0x3FB1] =	sst s0;
	s0 =	simm.s32 @!p1 $0x0  }
0x14: {  	s2 =	sld [smem:$0x3F95];
	s0 =	simm.s32 @p1 $0x1  }
0x15: {  	[smem:$0x3FB2] =	sst s0;
	s0 =	simm.s32 @!p2 $0x0  }
0x16: {  	s3 =	sld [smem:$0x3FDB];
	s0 =	simm.s32 @p2 $0x1  }
0x17: {  	s4 =	simm.s32 $0x1BF5;
	[smem:$0x3FB4] =	sst s0  }
0x18: {  	s0 =	sld [smem:$0x3F97];
	_ =	swait.ge [sflag:s4], $0x0  }
0x19: {  	s7 =	sld [smem:$0x3F98]  }
0x1a: {  	s8 =	sadd.s32 $0xFFFFE003, lr  }
0x1b: {  	s9 =	sadd.s32 $0xFFFFFEF7, lr;
	s5 =	simm.s32 $0xFFFFFFFF;
	p2 =	slt.u32 s8, $0xFFFFF086  }
0x1c: {  	p1 =	slt.u32 s9, $0xF7A;
	s5 =	simm.s32 @!p2 $0x0  }
0x1d: {  	s5 =	simm.s32 @p1 $0x1;
	p0 =	seq.s32 s7, s2  }
0x1e: {  	s7 =	smul.u32 @!p0 $0xF7A, s2;
	p2 =	seq.s32 @!p0 s5, $0x0  }
0x1f: {  	s9 =	smul.u32 $0xF7A, s1;
	s8 =	simm.s32 @!p0 $0x1BF5;
	p2 =	por !p2, p0  }
0x20: {  	[sflag:s8] =	ssyncset.s32 @!p0 $0xFFFFF086;
	s6 =	sadd.s32 @!p0 s3, s7;
	s7 =	simm.s32 @!p0 $0x108  }
0x21: {  	s3 =	sadd.s32 s3, s9;
	s6 =	sadd.s32 @!p0 $0x88, s6;
	s7 =	simm.s32 @p2 $0x1082  }
0x22: {  	[simem:s7], [sflag:s8] =	dma.local @!p0 [hbm:s6], $0xF7A  }
0x23: {  	s9 =	sor.u32 $0xD0000000, s2;
	s6 =	simm.s32 $0x108;
	_ =	swait.ge @!p0 [sflag:s8], $0x0  }
0x24: {  	s3 =	sadd.s32 $0x88, s3;
	s6 =	simm.s32 @!p1 $0x1082;
	[sflag:s4] =	ssyncset.s32 $0xFFFFF086  }
0x25: {  	[simem:s6], [sflag:s4] =	dma.local [hbm:s3], $0xF7A  }
0x26: {  	[smem:$0x3F98] =	sst s1;
	(tag) =	ssettag s2;
	_ =	strace s9  }
0x27: {  	s1 =	sld [smem:$0x3FA8]  }
0x28: {  	s2 =	sld [smem:$0x3FA9]  }
0x29: {  	s4 =	sld [smem:$0x3FAB]  }
0x2a: {  	p0 =	seq.s32 s5, $0x0;
	s5 =	sld [smem:$0x3FAC]  }
0x2b: {  	s6 =	sld [smem:$0x3FAD]  }
0x2c: {  	s7 =	sld [smem:$0x3FAE]  }
0x2d: {  	s3 =	simm.s32 $0x108;
	s8 =	sld [smem:$0x3FAF]  }
0x2e: {  	s3 =	simm.s32 @!p0 $0x1082;
	s9 =	sld [smem:$0x3FB0]  }
0x2f: {  	lr =	sadd.s32 s0, s3;
	s0 =	sld [smem:$0x3FA7]  }
0x30: {  	s3 =	sld [smem:$0x3FAA]  }
0x31: {  	[smem:$0x3FB3] =	sst s10  }
0x32: {  	s10 =	sld [smem:$0x3FB1];
	_ =	sdelay $0x3  }
0x33: {  	p0 =	seq.s32 s10, $0x1;
	s10 =	sld [smem:$0x3FB3];
	_ =	sdelay $0x3  }
0x34: {  	[smem:$0x3FB3] =	sst s10  }
0x35: {  	s10 =	sld [smem:$0x3FB2];
	_ =	sdelay $0x3  }
0x36: {  	p1 =	seq.s32 s10, $0x1;
	s10 =	sld [smem:$0x3FB3];
	_ =	sdelay $0x3  }
0x37: {  	[smem:$0x3FB3] =	sst s10  }
0x38: {  	s10 =	sld [smem:$0x3FB4]  }
0x39: {  	_ = 	snop;
	(pc) =	sbr.ind lr, $3  }
0x3a: {  	_ = 	snop  }
0x3b: {  	_ = 	snop  }
0x3c: {  	p2 =	seq.s32 s10, $0x1;
	s10 =	sld [smem:$0x3FB3]  }
0x3d: {  	_ =	shalt  }
0x3e: {  	_ =	shalt  }
0x3f: {  	_ =	shalt  }
0x40: {  	_ =	shalt  }
0x41: {  	_ =	shalt  }
0x42: {  	_ =	shalt  }
0x43: {  	_ =	shalt  }
0x44: {  	_ =	shalt  }
0x45: {  	_ =	shalt  }
0x46: {  	_ =	shalt  }
0x47: {  	_ =	shalt  }
0x48: {  	_ =	shalt  }
0x49: {  	_ =	shalt  }
0x4a: {  	_ =	shalt  }
0x4b: {  	_ =	shalt  }
0x4c: {  	_ =	shalt  }
0x4d: {  	_ =	shalt  }
0x4e: {  	_ =	shalt  }
0x4f: {  	_ =	shalt  }
0x50: {  	_ =	shalt  }
0x51: {  	_ =	shalt  }
0x52: {  	_ =	shalt  }
0x53: {  	_ =	shalt  }
0x54: {  	_ =	shalt  }
0x55: {  	_ =	shalt  }
0x56: {  	_ =	shalt  }
0x57: {  	_ =	shalt  }
0x58: {  	_ =	shalt  }
0x59: {  	_ =	shalt  }
0x5a: {  	_ =	shalt  }
0x5b: {  	_ =	shalt  }
0x5c: {  	_ =	shalt  }
0x5d: {  	_ =	shalt  }
0x5e: {  	_ =	shalt  }
0x5f: {  	_ =	shalt  }
0x60: {  	_ =	shalt  }
0x61: {  	_ =	shalt  }
0x62: {  	_ =	shalt  }
0x63: {  	_ =	shalt  }
0x64: {  	_ =	shalt  }
0x65: {  	_ =	shalt  }
0x66: {  	_ =	shalt  }
0x67: {  	_ =	shalt  }
0x68: {  	_ =	shalt  }
0x69: {  	_ =	shalt  }
0x6a: {  	_ =	shalt  }
0x6b: {  	_ =	shalt  }
0x6c: {  	_ =	shalt  }
0x6d: {  	_ =	shalt  }
0x6e: {  	_ =	shalt  }
0x6f: {  	_ =	shalt  }
0x70: {  	_ =	shalt  }
0x71: {  	_ =	shalt  }
0x72: {  	_ =	shalt  }
0x73: {  	_ =	shalt  }
0x74: {  	_ =	shalt  }
0x75: {  	_ =	shalt  }
0x76: {  	_ =	shalt  }
0x77: {  	_ =	shalt  }
0x78: {  	_ =	shalt  }
0x79: {  	_ =	shalt  }
0x7a: {  	_ =	shalt  }
0x7b: {  	_ =	shalt  }
0x7c: {  	_ =	shalt  }
0x7d: {  	_ =	shalt  }
0x7e: {  	_ =	shalt  }
0x7f: {  	_ =	shalt  }
0x80: {  	_ =	shalt  }
0x81: {  	_ =	shalt  }
0x82: {  	_ =	shalt  }
0x83: {  	_ =	shalt  }
0x84: {  	_ =	shalt  }
0x85: {  	_ =	shalt  }
0x86: {  	_ =	shalt  }
0x87: {  	_ =	shalt  }
.Lfunc_end0:
.L_simem_size_0:
called_computation_lowered:
.L_overlay_start_0:
0x88: {  	s2 =	sld [smem:$0x3FD9]  }
0x89: {  	s3 =	sld [smem:$0x3FFE];
	_ =	sdelay $0x1  }
0x8a: {  	s1 =	srdreg.scid  }
0x8b: {  	s0 =	sand.u32 $0x1, s1  }
0x8c: {  	s14 =	sshll.u32 s0, $0xA;
	s2 =	sadd.s32 s3, s2  }
0x8d: {  	s2 =	sadd.s32 s2, s14  }
0x8e: {  	[smem:$0x3FBF] =	sst s2  }
0x8f: {  	_ = 	snop  }
0x90: {  	s2 =	sld [smem:$0x3FD0];
	_ =	sdelay $0x2  }
0x91: {  	s15 =	simm.s32 $0xA;
	s4 =	simm.s32 $0x10  }
0x92: {  	[smem:s4], [sflag:s15] =	dma.local [hbm:s2], $0x1  }
0x93: {  	_ =	swait.eq [sflag:s15], $0x1  }
0x94: {  	[sflag:s15] =	ssyncset.done $0x0  }
0x95: {  	s16 =	sld [smem:$0x10];
	[sflag:s15] =	ssyncadd.s32 $0xFFFFFFFF  }
0x96: {  	s17 =	sld [smem:$0x11];
	(tm) =	ssettm $0x1  }
0x97: {  	s18 =	sld [smem:$0x3FFB];
	_ =	sdelay $0x3  }
0x98: {  	_ =	strace s18  }
0x99: {  	s4 =	sld [smem:$0x3FFC];
	_ =	sdelay $0x3  }
0x9a: {  	_ =	strace s4  }
0x9b: {  	s4 =	sld [smem:$0x3FFD];
	_ =	sdelay $0x3  }
0x9c: {  	_ =	strace s4  }
0x9d: {  	_ =	strace $0x8FFFFFFF  }
0x9e: {  	s19 =	sld [smem:$0x3FDB];
	_ =	sdelay $0x1  }
0x9f: {  	s5 =	simm.s32 $_scs_section_size  }
0xa0: {  	s6 =	simm.s32 $_size__tile_overlayer_lowered;
	s7 =	simm.s32 $_tile_overlayer_lowered  }
0xa1: {  	s22 =	simm.s32 $0x1BFF;
	s21 =	sshll.u32 s7, $0x1;
	s4 =	sadd.s32 s5, s19  }
0xa2: {  	s8 =	simm.s32 $0x0;
	s20 =	sshll.u32 s6, $0x1;
	s6 =	sadd.s32 s21, s4  }
0xa3: {  	[timem:s8], [sflag:s22] =	dma.local [hbm:s6], s20  }
0xa4: {  	_ =	swait.ge [sflag:s22], s20  }
0xa5: {  	s5 =	ssub.s32 $0x0, s20;
	[sflag:s22] =	ssyncset.done $0x0  }
0xa6: {  	[sflag:s22] =	ssyncadd.s32 s5;
	_ =	sdelay $0x1  }
0xa7: {  	s23 =	simm.s32 $0x1B8B  }
0xa8: {  	_ =	swait.ge [sflag:s23], $0x1  }
0xa9: {  	[sflag:s23] =	ssyncset.done $0x0  }
0xaa: {  	s25 =	simm.s32 $0x1B8E;
	s24 =	sld [smem:$0x3FFE];
	[sflag:s23] =	ssyncadd.s32 $0xFFFFFFFF  }
0xab: {  	s26 =	simm.s32 $execute0_lowered;
	[smem:$0x3FD2] =	sst s25  }
0xac: {  	s6 =	sshll.u32 s26, $0x1;
	_ =	strace $0x80000046;
	[dreg:$0x1] =	wrdreg $0xFFFFFFFF  }
0xad: {  	s28 =	simm.s32 $_size_execute0_lowered;
	s4 =	sadd.s32 s4, s6;
	[dreg:$0x0] =	wrdreg $0x0  }
0xae: {  	s6 =	sshll.u32 s28, $0x1;
	[dreg:$0x2] =	wrdreg s4  }
0xaf: {  	[dreg:$0x3] =	wrdreg s6  }
0xb0: {  	[dreg:$0x4] =	wrdreg $0xC0  }
0xb1: {  	_ =	task [dreg:s8], $0x5FFFF  }
0xb2: {  	[dreg:$0x1] =	wrdreg $0xFFFFFFFF  }
0xb3: {  	[dreg:$0x0] =	wrdreg $0x60  }
0xb4: {  	[dreg:$0x2] =	wrdreg s16  }
0xb5: {  	[dreg:$0x3] =	wrdreg s24  }
0xb6: {  	[dreg:$0x4] =	wrdreg s17  }
0xb7: {  	[dreg:$0x5] =	wrdreg $0x51800  }
0xb8: {  	[dreg:$0x6] =	wrdreg $0x18D800  }
0xb9: {  	[dreg:$0x7] =	wrdreg $0x9  }
0xba: {  	_ =	task.clear_ibuf [dreg:s8], $0x8FFFF;
	_ =	strace $0x90000046  }
0xbb: {  	s29 =	simm.s32 $0x9;
	_ =	strace $0x80000048  }
0xbc: {  	_ =	swait.ge [sflag:s29], $0x1  }
0xbd: {  	[sflag:s29] =	ssyncadd.s32 $0xFFFFFFFF  }
0xbe: {  	_ =	strace $0x90000048  }
0xbf: {  	_ =	sfence  }
0xc0: {  	s30 =	sld [smem:$0x0];
	_ =	sdelay $0x2  }
0xc1: {  	s31 =	sshll.u32 s1, $0xD;
	s1 =	sshrl.u32 s1, $0x2  }
0xc2: {  	s3 =	sand.u32 $0x4000, s31;
	s1 =	sadd.s32 s1, s30  }
0xc3: {  	s0 =	sor.u32 s3, s0;
	s1 =	sshll.u32 s1, $0x11  }
0xc4: {  	s0 =	sor.u32 s1, s0  }
0xc5: {  	s0 =	sadd.s32 $0x8F2B, s0  }
0xc6: {  	[sflag:s0] =	ssyncadd.remote.s32 $0x1  }
0xc7: {  	_ =	sfence.sel $0xFFFF  }
0xc8: {  	[dreg:$0x0] =	wrdreg $0xFFFFFFFF;
	(pc) =	sbr.abs _section_cstart, $3  }
0xc9: {  	[dreg:$0x1] =	wrdreg $0xFFFFFFFF  }
0xca: {  	_ =	task.clear_ibuf [dreg:s8], $0x2FFFF;
	_ =	strace $0x9FFFFFFF  }
0xcb: {  	(tm) =	ssettm $0x7FFFFFFF  }
tec
execute0_lowered:
.L_overlay_start_1:
0x0: {  	(tag) =	ssettag $0x1  }
0x1: {  	s0 =	rddreg [dreg:$0x0]  }
0x2: {  	s6 =	rddreg [dreg:$0x1]  }
0x3: {  	s9 =	rddreg [dreg:$0x2]  }
0x4: {  	s1 =	srdreg.scid;
	s2 =	rddreg [dreg:$0x3]  }
0x5: {  	s13 =	stileid.u32;
	s3 =	rddreg [dreg:$0x4];
	s4 =	simm.s32 $0x0  }
0x6: {  	s17 =	simm.s32 $0x80;
	s18 =	simm.s32 $0x50;
	s19 =	simm.s32 $0x100  }
0x7: {  	s20 =	simm.s32 $0x1;
	s21 =	simm.s32 $0x5100;
	s5 =	smul.u32 $0x4E20, s13  }
0x8: {  	s7 =	sand.u32 $0x1, s1;
	s1 =	rddreg [dreg:$0x5];
	s26 =	smul.u32 $0x13C00, s13  }
0x9: {  	s22 =	simm.s32 $0x0;
	[smem:$0x7FF] =	sst s4;
	s11 =	smul.u32 $0x4F000, s13  }
0xa: {  	s30 =	sshll.u32 s13, $0x6;
	p0 =	sne.s32 s13, $0x0;
	s8 =	smul.u32 $0x2710, s7  }
0xb: {  	s10 =	smul.u32 $0x13C000, s7;
	_ =	strace $0x80000047;
	s14 =	ssub.s32 $0x2, s7  }
0xc: {  	s31 =	smul.u32 $0x500, s7;
	s7 =	sor.u32 $0x1C02, s30;
	s16 =	sshrl.u32 @!p0 s3, $0x3  }
0xd: {  	s15 =	sshrl.u32 s14, $0x1;
	s11 =	sshrl.u32 s11, $0x2;
	s29 =	sshrl.u32 s26, $0x3  }
0xe: {  	s5 =	sadd.s32 s8, s5;
	s10 =	sadd.s32 s26, s10;
	s14 =	ssub.s32 s14, s15  }
0xf: {  	s28 =	sadd.s32 s11, s2;
	s9 =	sadd.s32 s9, s31;
	s15 =	simm.s32 $0x2900  }
0x10: {  	s5 =	sshrl.u32 s5, $0x3;
	s10 =	sshrl.u32 s10, $0x3;
	s13 =	sshrl.u32 s28, $0x3  }
0x11: {  	v0 =	vlaneseq.u32;
	s12 =	sadd.s32 s5, s6;
	s5 =	sadd.s32 $0x16400, s6;
	s10 =	sadd.s32 s10, s6  }
0x12: {  	v5 =	vimm.f32 $1.000000000e+00;
	v1 =	vor.u32 $0x10, v0;
	s6 =	sadd.s32 s5, s29;
	s8 =	sadd.s32 $0x3DC00, s10;
	s10 =	smax.u32 s14, $0x1  }
0x13: {  	v2 =	vor.u32 $0x20, v0;
	v3 =	vor.u32 $0x30, v0;
	v4 =	vor.u32 $0x40, v0;
	s11 =	sadd.s32 $0x2800, s12;
	s12 =	sadd.s32 $0xC600, s12;
	s14 =	simm.s32 $0x2  }
.LBB2_1:
0x14: {  	[spmem:s13], [sflag:s7] =	dma.local [hbm:s6], $0x2780  }
0x15: {  	_ =	swait.ge [sflag:s14], $0x2780  }
0x16: {  	[sflag:s14] =	ssyncset.done $0x0  }
0x17: {  	[sflag:s14] =	ssyncadd.s32 $0xFFFFD880  }
0x18: {  	[tilespmem:s15], [sflag:$0x2] =	stream.linear.gather [hbm4b:s5+s4], $0x2800, $0x38;
	[tilespmem:$0x19000] =	vst v63  }
0x19: {  	_ =	swait.ge [sflag:s14], $0x2800  }
0x1a: {  	[sflag:s14] =	ssyncset.done $0x0  }
0x1b: {  	s23 =	simm.s32 @!p0 $0x2;
	[sflag:s14] =	ssyncadd.s32 $0xFFFFD800  }
0x1c: {  	[spmem:s16], [sflag:s7] =	dma.local @!p0 [hbm:s5], $0x500  }
0x1d: {  	_ =	swait.ge @!p0 [sflag:s23], $0x500  }
0x1e: {  	[sflag:s23] =	ssyncset.done @!p0 $0x0  }
0x1f: {  	[sflag:s23] =	ssyncadd.s32 @!p0 $0xFFFFFB00  }
0x20: {  	[tilespmem:$0x5100] =	vst v0  }
0x21: {  	[tilespmem:$0x5110] =	vst v1  }
0x22: {  	[tilespmem:$0x5120] =	vst v2  }
0x23: {  	[tilespmem:$0x5130] =	vst v3  }
0x24: {  	[tilespmem:$0x5140] =	vst v4  }
0x25: {  	s23 =	simm.s32 $0x0;
	[bflag:$0x0] =	sbarrier.arrive $0xFFFF  }
.LBB2_2:
0x26: {  	s24 =	sadd.s32 s23, s12  }
0x27: {  	[tilespmem:s4], [sflag:$0x2] =	stream.linear.gather [hbm4b:s24+s4], $0x50, $0x38;
	[tilespmem:$0x19000] =	vst v63  }
0x28: {  	_ =	swait.ge [sflag:s14], $0x50  }
0x29: {  	[sflag:s14] =	ssyncset.done $0x0  }
0x2a: {  	s31 =	sadd.s32 s23, s11;
	[sflag:s14] =	ssyncadd.s32 $0xFFFFFFB0  }
0x2b: {  	[tilespmem:s17], [sflag:$0x2] =	stream.linear.gather [hbm4b:s31+s4], $0x50, $0x38;
	[tilespmem:$0x19000] =	vst v63  }
0x2c: {  	_ =	swait.ge [sflag:s14], $0x50  }
0x2d: {  	[sflag:s14] =	ssyncset.done $0x0  }
0x2e: {  	[sflag:s14] =	ssyncadd.s32 $0xFFFFFFB0  }
0x2f: {  	[tilespmem:s19], [sflag:$0x1] =	stream.indirect.gather [hbm4b:s0+s18], $0x80, s4, s18, $0xb8;
	[tilespmem:$0x19000] =	vst v63  }
0x30: {  	_ =	swait.ge [sflag:s20], $0x2800  }
0x31: {  	[sflag:s20] =	ssyncset.done $0x0  }
0x32: {  	[sflag:s20] =	ssyncadd.s32 $0xFFFFD800  }
0x33: {  	[spmem:s2] =	stream.indirect.scatter.add.f32 [tilespmem:s19], [sflag:$0x2], $0x80, s17, s18, $0xb8;
	[tilespmem:$0x19000] =	vst v63  }
0x34: {  	_ =	swait.ge [sflag:s14], $0x2800  }
0x35: {  	[sflag:s14] =	ssyncset.done $0x0  }
0x36: {  	[sflag:s14] =	ssyncadd.s32 $0xFFFFD800  }
0x37: {  	v6 =	vld [tilespmem:$0x80];
	_ =	sdelay $0x7  }
0x38: {  	[tilespmem:v6+s15+$0x0] =	vst.idx.add.f32.msk $0xffff, v5  }
0x39: {  	v6 =	vld [tilespmem:$0x90];
	_ =	sdelay $0x7  }
0x3a: {  	[tilespmem:v6+s15+$0x0] =	vst.idx.add.f32.msk $0xffff, v5  }
0x3b: {  	v6 =	vld [tilespmem:$0xA0];
	_ =	sdelay $0x7  }
0x3c: {  	[tilespmem:v6+s15+$0x0] =	vst.idx.add.f32.msk $0xffff, v5  }
0x3d: {  	v6 =	vld [tilespmem:$0xB0];
	_ =	sdelay $0x7  }
0x3e: {  	[tilespmem:v6+s15+$0x0] =	vst.idx.add.f32.msk $0xffff, v5  }
0x3f: {  	v6 =	vld [tilespmem:$0xC0];
	_ =	sdelay $0x2  }
0x40: {  	p1 =	sne.s32 s23, $0x4D8  }
.Ltmp0:
0x41: {  	_ = 	snop;
	(pc) =	sbr.rel @p1 .LBB2_2-.Ltmp0, $2  }
0x42: {  	_ =	sdelay $0x2  }
0x43: {  	s23 =	sadd.s32 $0xA, s23;
	[tilespmem:v6+s15+$0x0] =	vst.idx.add.f32.msk $0xffff, v5  }
0x44: {  	[spmem:s3] =	stream.indirect.scatter.add.f32 [tilespmem:s15], [sflag:$0x2], $0x80, s21, s18, $0xb8;
	[tilespmem:$0x19000] =	vst v63  }
0x45: {  	_ =	swait.ge [sflag:s14], $0x2800  }
0x46: {  	[sflag:s14] =	ssyncset.done $0x0  }
0x47: {  	[sflag:s14] =	ssyncadd.s32 $0xFFFFD800  }
0x48: {  	[bflag:$0x0] =	sbarrier.arrive $0xFFFF  }
0x49: {  	[hbm:s8], [sflag:s7] =	dma.local [spmem:s13], $0x2780  }
0x4a: {  	s22 =	sadd.s32 $0x1, s22;
	_ =	swait.ge [sflag:s14], $0x2780  }
0x4b: {  	p1 =	sne.s32 s22, s10;
	[sflag:s14] =	ssyncset.done $0x0  }
.Ltmp1:
0x4c: {  	s23 =	simm.s32 @!p0 $0x2;
	[sflag:s14] =	ssyncadd.s32 $0xFFFFD880;
	(pc) =	sbr.rel @p1 .LBB2_1-.Ltmp1, $4  }
0x4d: {  	[hbm:s9], [sflag:s7] =	dma.local @!p0 [spmem:s16], $0x500  }
0x4e: {  	_ =	swait.ge @!p0 [sflag:s23], $0x500  }
0x4f: {  	[sflag:s23] =	ssyncset.done @!p0 $0x0  }
0x50: {  	[sflag:s23] =	ssyncadd.s32 @!p0 $0xFFFFFB00  }
0x51: {  	_ =	sfence.sel $0x180000  }
0x52: {  	[bflag:$0x0] =	sbarrier.arrive $0xFFFF  }
0x53: {  	_ =	strace $0x90000047  }
0x54: {  	s0 =	sadd.s32 @!p0 $0x100000, s1;
	[bflag:$0x2] =	sbarrier.arrive $0xFFFF  }
0x55: {  	[sflag:s0] =	ssyncadd.tile.s32 @!p0 $0x1;
	_ =	shalt  }
.Lfunc_end2:
_tile_overlayer_lowered:
.L_overlay_start_2:
0x56: {  	(tag) =	ssettag $0x2  }
0x57: {  	s0 =	rddreg [dreg:$0x0];
	s2 =	stileid.u32  }
0x58: {  	s1 =	rddreg [dreg:$0x1];
	p0 =	sne.s32 s2, $0x0  }
0x59: {  	s3 =	rddreg [dreg:$0x2];
	[bflag:$0x3] =	sbarrier.arrive $0xFFFF;
	s2 =	simm.s32 @!p0 $0x1C02  }
0x5a: {  	[timem:s3], [sflag:s2] =	dma.local @!p0 [hbm:s0], s1  }
0x5b: {  	s0 =	simm.s32 @!p0 $0x2  }
0x5c: {  	_ =	swait.ge @!p0 [sflag:s0], s1  }
0x5d: {  	s1 =	ssub.s32 @!p0 $0x0, s1;
	[sflag:s0] =	ssyncset.done @!p0 $0x0  }
0x5e: {  	[sflag:s0] =	ssyncadd.s32 @!p0 s1  }
0x5f: {  	[bflag:$0x3] =	sbarrier.arrive $0xFFFF  }
0x60: {  	_ =	shalt  }

</sc_bundles>
